<compile_context>
chip_gen: v7x
topology: tpu7x:2x2x1
jax: 0.10.2.dev20260603
libtpu: 0.0.44.dev20260713+nightly
codegen_flags: <defaults>
</compile_context>

<pallas_src>
import functools

import jax
import jax.numpy as jnp
from jax import lax
from jax.experimental import pallas as pl
from jax.experimental.pallas import tpu as pltpu
from jax.experimental.pallas import tpu_sc as plsc

BATCH = 16384
SEQ = 200
D = 64
B = BATCH * SEQ

_INFO = plsc.get_sparse_core_info()
NC = _INFO.num_cores
NS = _INFO.num_subcores
NW = NC * NS
B_PER_W = B // NW
GSZ = 320
N_GROUPS = B_PER_W // GSZ
CHUNKS = ((0, 128), (128, 128), (256, 64))


def _make_gather():
    mesh = plsc.VectorSubcoreMesh(core_axis_name="c", subcore_axis_name="s")

    @functools.partial(
        pl.kernel,
        mesh=mesh,
        out_type=jax.ShapeDtypeStruct((B, 128), jnp.float32),
        scratch_types=[
            [pltpu.VMEM((GSZ,), jnp.int32) for _ in range(3)],
            [pltpu.VMEM((GSZ, 128), jnp.float32) for _ in range(3)],
            [pltpu.SemaphoreType.DMA for _ in range(3)],
            [pltpu.SemaphoreType.DMA for _ in range(3)],
        ],
        compiler_params=pltpu.CompilerParams(use_tc_tiling_on_sc=False),
    )
    def gather_kernel(x_hbm, tab_hbm, out_hbm, idx_v, rows_v, sem_g, sem_w):
        wid = lax.axis_index("s") * NC + lax.axis_index("c")
        r00 = wid * B_PER_W

        def fire_gather(g, c):
            r0 = r00 + g * GSZ
            pltpu.sync_copy(x_hbm.at[pl.ds(r0, GSZ)], idx_v[c])
            for off, n in CHUNKS:
                pltpu.async_copy(
                    tab_hbm.at[idx_v[c].at[pl.ds(off, n)]],
                    rows_v[c].at[pl.ds(off, n)],
                    sem_g[c],
                )

        def wait_gather(c):
            pltpu.make_async_copy(
                tab_hbm.at[pl.ds(0, GSZ)], rows_v[c], sem_g[c]
            ).wait()

        def fire_wb(g, c):
            r0 = r00 + g * GSZ
            pltpu.async_copy(rows_v[c], out_hbm.at[pl.ds(r0, GSZ)], sem_w[c])

        def wait_wb(c):
            pltpu.make_async_copy(
                rows_v[c], out_hbm.at[pl.ds(0, GSZ)], sem_w[c]
            ).wait()

        fire_gather(0, 0)
        fire_gather(1, 1)
        wait_gather(0)
        fire_wb(0, 0)
        fire_gather(2, 2)
        wait_gather(1)
        fire_wb(1, 1)

        TRIPS = (N_GROUPS - 5) // 3

        def body(g, c):
            wait_wb(c)
            fire_gather(g, c)
            wait_gather((c + 2) % 3)
            fire_wb(g - 1, (c + 2) % 3)

        def trip(t, carry):
            g = 3 + 3 * t
            body(g, 0)
            body(g + 1, 1)
            body(g + 2, 2)
            return carry

        lax.fori_loop(0, TRIPS, trip, 0)

        body(N_GROUPS - 2, 0)
        body(N_GROUPS - 1, 1)
        wait_gather(1)
        fire_wb(N_GROUPS - 1, 1)
        wait_wb(0)
        wait_wb(1)
        wait_wb(2)

    return gather_kernel


_gather = _make_gather()


def kernel(x, table):
    x1d = x.reshape(-1)
    table_pad = jnp.pad(table, ((0, 0), (0, 128 - D)))
    out2 = _gather(x1d, table_pad)
    return out2[:, :D].reshape(BATCH, SEQ, D)

# --- scband reference (transcript-rebuilt; emitter-appended) ---
"""Pipeline reference for scband-token-embedding-40750649704984 (READ-ONLY COPY).

The authoritative reference and input builder live on the scoring server;
editing this copy changes nothing except your own understanding.
"""

import jax, jax.numpy as jnp
import numpy as np

VOCAB_SIZE = 1000000  # module uses vocab_size + 1 rows
D_MODEL = 64
BATCH = 16384
SEQ = 200


def setup_inputs(seed: int = 0) -> dict:
    key = jax.random.key(seed)
    k_idx, k_tab = jax.random.split(key)
    x = jax.random.randint(k_idx, (BATCH, SEQ), 0, VOCAB_SIZE, dtype=jnp.int64 if jax.config.jax_enable_x64 else jnp.int32)
    table = jax.random.normal(k_tab, (VOCAB_SIZE + 1, D_MODEL), dtype=jnp.float32)
    return {"x": x, "table": table}


def reference(x, table):
    # nn.Embedding forward: row gather from the embedding table
    return jnp.take(table, x, axis=0)

if __name__ == "__main__":
    import jax
    _d = setup_inputs()
    print(jax.jit(kernel)(*tuple(_d.values())))

</pallas_src>

<mosaic_0001>
#map = affine_map<(d0, d1) -> (0)>
#map1 = affine_map<(d0, d1) -> (0, 0)>
module attributes {stable_mosaic.version = 14 : i64} {
  func.func @gather_kernel(%arg0: i32, %arg1: i32, %arg2: memref<3276800xi32, #tpu.memory_space<hbm>>, %arg3: memref<1000001x128xf32, #tpu.memory_space<hbm>>, %arg4: memref<3276800x128xf32, #tpu.memory_space<hbm>>, %arg5: memref<320xi32, #tpu.memory_space<vmem>>, %arg6: memref<320xi32, #tpu.memory_space<vmem>>, %arg7: memref<320xi32, #tpu.memory_space<vmem>>, %arg8: memref<320x128xf32, #tpu.memory_space<vmem>>, %arg9: memref<320x128xf32, #tpu.memory_space<vmem>>, %arg10: memref<320x128xf32, #tpu.memory_space<vmem>>, %arg11: memref<!tpu.dma_semaphore, #tpu.memory_space<semaphore_mem>>, %arg12: memref<!tpu.dma_semaphore, #tpu.memory_space<semaphore_mem>>, %arg13: memref<!tpu.dma_semaphore, #tpu.memory_space<semaphore_mem>>, %arg14: memref<!tpu.dma_semaphore, #tpu.memory_space<semaphore_mem>>, %arg15: memref<!tpu.dma_semaphore, #tpu.memory_space<semaphore_mem>>, %arg16: memref<!tpu.dma_semaphore, #tpu.memory_space<semaphore_mem>>) attributes {dimension_semantics = [#tpu.dimension_semantics<core_parallel>, #tpu.dimension_semantics<subcore_parallel>], iteration_bounds = array<i64: 2, 16>, scalar_prefetch = 0 : i64, scratch_operands = 12 : i64, tpu.core_type = #tpu.core_type<sc_vector_subcore>, window_params = [{transform_indices = #map}, {transform_indices = #map1}, {transform_indices = #map1}]} {
    %mul3A = arith.constant 2 : i32
    %mul3A_0 = arith.muli %arg1, %mul3A : i32
    %add3A = arith.addi %mul3A_0, %arg0 : i32
    %mul3A_1 = arith.constant 102400 : i32
    %mul3A_2 = arith.muli %add3A, %mul3A_1 : i32
    %add3A_3 = arith.constant 0 : i32
    %add3A_4 = arith.addi %mul3A_2, %add3A_3 : i32
    "tpu.region"() ({
      %run_scoped3A = tpu.sem_alloc : memref<!tpu.dma_semaphore, #tpu.memory_space<semaphore_mem>>
      %dma_start3A_226 = tpu.memref_slice %arg2[%add3A_4] : memref<3276800xi32, #tpu.memory_space<hbm>> -> memref<320xi32, #tpu.memory_space<hbm>>
      %dma_start3A_227 = tpu.memref_slice %arg2[%add3A_4] : memref<3276800xi32, #tpu.memory_space<hbm>> -> memref<320xi32, #tpu.memory_space<hbm>>
      tpu.enqueue_dma source(%dma_start3A_227 : memref<320xi32, #tpu.memory_space<hbm>>) target(%arg5 : memref<320xi32, #tpu.memory_space<vmem>>) target_semaphore(%run_scoped3A : memref<!tpu.dma_semaphore, #tpu.memory_space<semaphore_mem>>)
      %dma_wait3A_228 = tpu.memref_slice %arg2[%add3A_4] : memref<3276800xi32, #tpu.memory_space<hbm>> -> memref<320xi32, #tpu.memory_space<hbm>>
      %dma_wait3A_229 = tpu.memref_slice %arg2[%add3A_4] : memref<3276800xi32, #tpu.memory_space<hbm>> -> memref<320xi32, #tpu.memory_space<hbm>>
      tpu.wait_dma2 semaphore(%run_scoped3A : memref<!tpu.dma_semaphore, #tpu.memory_space<semaphore_mem>>) src(%dma_wait3A_229 : memref<320xi32, #tpu.memory_space<hbm>>) dst(%arg5 : memref<320xi32, #tpu.memory_space<vmem>>)
      tpu.yield
    }) : () -> ()
    %dma_start3A = arith.constant 0 : i32
    %dma_start3A_5 = arith.constant 0 : i32
    %dma_start3A_6 = tpu.memref_slice %arg8[%dma_start3A, %dma_start3A_5] : memref<320x128xf32, #tpu.memory_space<vmem>> -> memref<128x128xf32, #tpu.memory_space<vmem>>
    %dma_start3A_7 = arith.constant 0 : i32
    %dma_start3A_8 = tpu.memref_slice %arg5[%dma_start3A_7] : memref<320xi32, #tpu.memory_space<vmem>> -> memref<128xi32, #tpu.memory_space<vmem>>
    %dma_start3A_9 = arith.constant 0 : i32
    %dma_start3A_10 = arith.constant 0 : i32
    %dma_start3A_11 = tpu.memref_slice %arg3[%dma_start3A_9, %dma_start3A_10] : memref<1000001x128xf32, #tpu.memory_space<hbm>> -> memref<1000001x128xf32, #tpu.memory_space<hbm>>
    tpu.enqueue_indirect_dma source(%dma_start3A_11 : memref<1000001x128xf32, #tpu.memory_space<hbm>>) target(%dma_start3A_6 : memref<128x128xf32, #tpu.memory_space<vmem>>) offsets(%dma_start3A_8 : memref<128xi32, #tpu.memory_space<vmem>>) semaphore(%arg11 : memref<!tpu.dma_semaphore, #tpu.memory_space<semaphore_mem>>)
    %dma_start3A_12 = arith.constant 128 : i32
    %dma_start3A_13 = arith.constant 0 : i32
    %dma_start3A_14 = tpu.memref_slice %arg8[%dma_start3A_12, %dma_start3A_13] : memref<320x128xf32, #tpu.memory_space<vmem>> -> memref<128x128xf32, #tpu.memory_space<vmem>>
    %dma_start3A_15 = arith.constant 128 : i32
    %dma_start3A_16 = tpu.memref_slice %arg5[%dma_start3A_15] : memref<320xi32, #tpu.memory_space<vmem>> -> memref<128xi32, #tpu.memory_space<vmem>>
    %dma_start3A_17 = arith.constant 0 : i32
    %dma_start3A_18 = arith.constant 0 : i32
    %dma_start3A_19 = tpu.memref_slice %arg3[%dma_start3A_17, %dma_start3A_18] : memref<1000001x128xf32, #tpu.memory_space<hbm>> -> memref<1000001x128xf32, #tpu.memory_space<hbm>>
    tpu.enqueue_indirect_dma source(%dma_start3A_19 : memref<1000001x128xf32, #tpu.memory_space<hbm>>) target(%dma_start3A_14 : memref<128x128xf32, #tpu.memory_space<vmem>>) offsets(%dma_start3A_16 : memref<128xi32, #tpu.memory_space<vmem>>) semaphore(%arg11 : memref<!tpu.dma_semaphore, #tpu.memory_space<semaphore_mem>>)
    %dma_start3A_20 = arith.constant 256 : i32
    %dma_start3A_21 = arith.constant 0 : i32
    %dma_start3A_22 = tpu.memref_slice %arg8[%dma_start3A_20, %dma_start3A_21] : memref<320x128xf32, #tpu.memory_space<vmem>> -> memref<64x128xf32, #tpu.memory_space<vmem>>
    %dma_start3A_23 = arith.constant 256 : i32
    %dma_start3A_24 = tpu.memref_slice %arg5[%dma_start3A_23] : memref<320xi32, #tpu.memory_space<vmem>> -> memref<64xi32, #tpu.memory_space<vmem>>
    %dma_start3A_25 = arith.constant 0 : i32
    %dma_start3A_26 = arith.constant 0 : i32
    %dma_start3A_27 = tpu.memref_slice %arg3[%dma_start3A_25, %dma_start3A_26] : memref<1000001x128xf32, #tpu.memory_space<hbm>> -> memref<1000001x128xf32, #tpu.memory_space<hbm>>
    tpu.enqueue_indirect_dma source(%dma_start3A_27 : memref<1000001x128xf32, #tpu.memory_space<hbm>>) target(%dma_start3A_22 : memref<64x128xf32, #tpu.memory_space<vmem>>) offsets(%dma_start3A_24 : memref<64xi32, #tpu.memory_space<vmem>>) semaphore(%arg11 : memref<!tpu.dma_semaphore, #tpu.memory_space<semaphore_mem>>)
    %add3A_28 = arith.constant 320 : i32
    %add3A_29 = arith.addi %mul3A_2, %add3A_28 : i32
    "tpu.region"() ({
      %run_scoped3A = tpu.sem_alloc : memref<!tpu.dma_semaphore, #tpu.memory_space<semaphore_mem>>
      %dma_start3A_226 = tpu.memref_slice %arg2[%add3A_29] : memref<3276800xi32, #tpu.memory_space<hbm>> -> memref<320xi32, #tpu.memory_space<hbm>>
      %dma_start3A_227 = tpu.memref_slice %arg2[%add3A_29] : memref<3276800xi32, #tpu.memory_space<hbm>> -> memref<320xi32, #tpu.memory_space<hbm>>
      tpu.enqueue_dma source(%dma_start3A_227 : memref<320xi32, #tpu.memory_space<hbm>>) target(%arg6 : memref<320xi32, #tpu.memory_space<vmem>>) target_semaphore(%run_scoped3A : memref<!tpu.dma_semaphore, #tpu.memory_space<semaphore_mem>>)
      %dma_wait3A_228 = tpu.memref_slice %arg2[%add3A_29] : memref<3276800xi32, #tpu.memory_space<hbm>> -> memref<320xi32, #tpu.memory_space<hbm>>
      %dma_wait3A_229 = tpu.memref_slice %arg2[%add3A_29] : memref<3276800xi32, #tpu.memory_space<hbm>> -> memref<320xi32, #tpu.memory_space<hbm>>
      tpu.wait_dma2 semaphore(%run_scoped3A : memref<!tpu.dma_semaphore, #tpu.memory_space<semaphore_mem>>) src(%dma_wait3A_229 : memref<320xi32, #tpu.memory_space<hbm>>) dst(%arg6 : memref<320xi32, #tpu.memory_space<vmem>>)
      tpu.yield
    }) : () -> ()
    %dma_start3A_30 = arith.constant 0 : i32
    %dma_start3A_31 = arith.constant 0 : i32
    %dma_start3A_32 = tpu.memref_slice %arg9[%dma_start3A_30, %dma_start3A_31] : memref<320x128xf32, #tpu.memory_space<vmem>> -> memref<128x128xf32, #tpu.memory_space<vmem>>
    %dma_start3A_33 = arith.constant 0 : i32
    %dma_start3A_34 = tpu.memref_slice %arg6[%dma_start3A_33] : memref<320xi32, #tpu.memory_space<vmem>> -> memref<128xi32, #tpu.memory_space<vmem>>
    %dma_start3A_35 = arith.constant 0 : i32
    %dma_start3A_36 = arith.constant 0 : i32
    %dma_start3A_37 = tpu.memref_slice %arg3[%dma_start3A_35, %dma_start3A_36] : memref<1000001x128xf32, #tpu.memory_space<hbm>> -> memref<1000001x128xf32, #tpu.memory_space<hbm>>
    tpu.enqueue_indirect_dma source(%dma_start3A_37 : memref<1000001x128xf32, #tpu.memory_space<hbm>>) target(%dma_start3A_32 : memref<128x128xf32, #tpu.memory_space<vmem>>) offsets(%dma_start3A_34 : memref<128xi32, #tpu.memory_space<vmem>>) semaphore(%arg12 : memref<!tpu.dma_semaphore, #tpu.memory_space<semaphore_mem>>)
    %dma_start3A_38 = arith.constant 128 : i32
    %dma_start3A_39 = arith.constant 0 : i32
    %dma_start3A_40 = tpu.memref_slice %arg9[%dma_start3A_38, %dma_start3A_39] : memref<320x128xf32, #tpu.memory_space<vmem>> -> memref<128x128xf32, #tpu.memory_space<vmem>>
    %dma_start3A_41 = arith.constant 128 : i32
    %dma_start3A_42 = tpu.memref_slice %arg6[%dma_start3A_41] : memref<320xi32, #tpu.memory_space<vmem>> -> memref<128xi32, #tpu.memory_space<vmem>>
    %dma_start3A_43 = arith.constant 0 : i32
    %dma_start3A_44 = arith.constant 0 : i32
    %dma_start3A_45 = tpu.memref_slice %arg3[%dma_start3A_43, %dma_start3A_44] : memref<1000001x128xf32, #tpu.memory_space<hbm>> -> memref<1000001x128xf32, #tpu.memory_space<hbm>>
    tpu.enqueue_indirect_dma source(%dma_start3A_45 : memref<1000001x128xf32, #tpu.memory_space<hbm>>) target(%dma_start3A_40 : memref<128x128xf32, #tpu.memory_space<vmem>>) offsets(%dma_start3A_42 : memref<128xi32, #tpu.memory_space<vmem>>) semaphore(%arg12 : memref<!tpu.dma_semaphore, #tpu.memory_space<semaphore_mem>>)
    %dma_start3A_46 = arith.constant 256 : i32
    %dma_start3A_47 = arith.constant 0 : i32
    %dma_start3A_48 = tpu.memref_slice %arg9[%dma_start3A_46, %dma_start3A_47] : memref<320x128xf32, #tpu.memory_space<vmem>> -> memref<64x128xf32, #tpu.memory_space<vmem>>
    %dma_start3A_49 = arith.constant 256 : i32
    %dma_start3A_50 = tpu.memref_slice %arg6[%dma_start3A_49] : memref<320xi32, #tpu.memory_space<vmem>> -> memref<64xi32, #tpu.memory_space<vmem>>
    %dma_start3A_51 = arith.constant 0 : i32
    %dma_start3A_52 = arith.constant 0 : i32
    %dma_start3A_53 = tpu.memref_slice %arg3[%dma_start3A_51, %dma_start3A_52] : memref<1000001x128xf32, #tpu.memory_space<hbm>> -> memref<1000001x128xf32, #tpu.memory_space<hbm>>
    tpu.enqueue_indirect_dma source(%dma_start3A_53 : memref<1000001x128xf32, #tpu.memory_space<hbm>>) target(%dma_start3A_48 : memref<64x128xf32, #tpu.memory_space<vmem>>) offsets(%dma_start3A_50 : memref<64xi32, #tpu.memory_space<vmem>>) semaphore(%arg12 : memref<!tpu.dma_semaphore, #tpu.memory_space<semaphore_mem>>)
    %dma_wait3A = arith.constant 0 : i32
    %dma_wait3A_54 = arith.constant 0 : i32
    %dma_wait3A_55 = tpu.memref_slice %arg3[%dma_wait3A, %dma_wait3A_54] : memref<1000001x128xf32, #tpu.memory_space<hbm>> -> memref<320x128xf32, #tpu.memory_space<hbm>>
    %dma_wait3A_56 = arith.constant 0 : i32
    %dma_wait3A_57 = arith.constant 0 : i32
    %dma_wait3A_58 = tpu.memref_slice %arg3[%dma_wait3A_56, %dma_wait3A_57] : memref<1000001x128xf32, #tpu.memory_space<hbm>> -> memref<320x128xf32, #tpu.memory_space<hbm>>
    tpu.wait_dma2 semaphore(%arg11 : memref<!tpu.dma_semaphore, #tpu.memory_space<semaphore_mem>>) src(%dma_wait3A_58 : memref<320x128xf32, #tpu.memory_space<hbm>>) dst(%arg8 : memref<320x128xf32, #tpu.memory_space<vmem>>)
    %add3A_59 = arith.constant 0 : i32
    %add3A_60 = arith.addi %mul3A_2, %add3A_59 : i32
    %dma_start3A_61 = arith.constant 0 : i32
    %dma_start3A_62 = tpu.memref_slice %arg4[%add3A_60, %dma_start3A_61] : memref<3276800x128xf32, #tpu.memory_space<hbm>> -> memref<320x128xf32, #tpu.memory_space<hbm>>
    %dma_start3A_63 = arith.constant 0 : i32
    %dma_start3A_64 = tpu.memref_slice %arg4[%add3A_60, %dma_start3A_63] : memref<3276800x128xf32, #tpu.memory_space<hbm>> -> memref<320x128xf32, #tpu.memory_space<hbm>>
    tpu.enqueue_dma source(%arg8 : memref<320x128xf32, #tpu.memory_space<vmem>>) target(%dma_start3A_64 : memref<320x128xf32, #tpu.memory_space<hbm>>) target_semaphore(%arg14 : memref<!tpu.dma_semaphore, #tpu.memory_space<semaphore_mem>>)
    %add3A_65 = arith.constant 640 : i32
    %add3A_66 = arith.addi %mul3A_2, %add3A_65 : i32
    "tpu.region"() ({
      %run_scoped3A = tpu.sem_alloc : memref<!tpu.dma_semaphore, #tpu.memory_space<semaphore_mem>>
      %dma_start3A_226 = tpu.memref_slice %arg2[%add3A_66] : memref<3276800xi32, #tpu.memory_space<hbm>> -> memref<320xi32, #tpu.memory_space<hbm>>
      %dma_start3A_227 = tpu.memref_slice %arg2[%add3A_66] : memref<3276800xi32, #tpu.memory_space<hbm>> -> memref<320xi32, #tpu.memory_space<hbm>>
      tpu.enqueue_dma source(%dma_start3A_227 : memref<320xi32, #tpu.memory_space<hbm>>) target(%arg7 : memref<320xi32, #tpu.memory_space<vmem>>) target_semaphore(%run_scoped3A : memref<!tpu.dma_semaphore, #tpu.memory_space<semaphore_mem>>)
      %dma_wait3A_228 = tpu.memref_slice %arg2[%add3A_66] : memref<3276800xi32, #tpu.memory_space<hbm>> -> memref<320xi32, #tpu.memory_space<hbm>>
      %dma_wait3A_229 = tpu.memref_slice %arg2[%add3A_66] : memref<3276800xi32, #tpu.memory_space<hbm>> -> memref<320xi32, #tpu.memory_space<hbm>>
      tpu.wait_dma2 semaphore(%run_scoped3A : memref<!tpu.dma_semaphore, #tpu.memory_space<semaphore_mem>>) src(%dma_wait3A_229 : memref<320xi32, #tpu.memory_space<hbm>>) dst(%arg7 : memref<320xi32, #tpu.memory_space<vmem>>)
      tpu.yield
    }) : () -> ()
    %dma_start3A_67 = arith.constant 0 : i32
    %dma_start3A_68 = arith.constant 0 : i32
    %dma_start3A_69 = tpu.memref_slice %arg10[%dma_start3A_67, %dma_start3A_68] : memref<320x128xf32, #tpu.memory_space<vmem>> -> memref<128x128xf32, #tpu.memory_space<vmem>>
    %dma_start3A_70 = arith.constant 0 : i32
    %dma_start3A_71 = tpu.memref_slice %arg7[%dma_start3A_70] : memref<320xi32, #tpu.memory_space<vmem>> -> memref<128xi32, #tpu.memory_space<vmem>>
    %dma_start3A_72 = arith.constant 0 : i32
    %dma_start3A_73 = arith.constant 0 : i32
    %dma_start3A_74 = tpu.memref_slice %arg3[%dma_start3A_72, %dma_start3A_73] : memref<1000001x128xf32, #tpu.memory_space<hbm>> -> memref<1000001x128xf32, #tpu.memory_space<hbm>>
    tpu.enqueue_indirect_dma source(%dma_start3A_74 : memref<1000001x128xf32, #tpu.memory_space<hbm>>) target(%dma_start3A_69 : memref<128x128xf32, #tpu.memory_space<vmem>>) offsets(%dma_start3A_71 : memref<128xi32, #tpu.memory_space<vmem>>) semaphore(%arg13 : memref<!tpu.dma_semaphore, #tpu.memory_space<semaphore_mem>>)
    %dma_start3A_75 = arith.constant 128 : i32
    %dma_start3A_76 = arith.constant 0 : i32
    %dma_start3A_77 = tpu.memref_slice %arg10[%dma_start3A_75, %dma_start3A_76] : memref<320x128xf32, #tpu.memory_space<vmem>> -> memref<128x128xf32, #tpu.memory_space<vmem>>
    %dma_start3A_78 = arith.constant 128 : i32
    %dma_start3A_79 = tpu.memref_slice %arg7[%dma_start3A_78] : memref<320xi32, #tpu.memory_space<vmem>> -> memref<128xi32, #tpu.memory_space<vmem>>
    %dma_start3A_80 = arith.constant 0 : i32
    %dma_start3A_81 = arith.constant 0 : i32
    %dma_start3A_82 = tpu.memref_slice %arg3[%dma_start3A_80, %dma_start3A_81] : memref<1000001x128xf32, #tpu.memory_space<hbm>> -> memref<1000001x128xf32, #tpu.memory_space<hbm>>
    tpu.enqueue_indirect_dma source(%dma_start3A_82 : memref<1000001x128xf32, #tpu.memory_space<hbm>>) target(%dma_start3A_77 : memref<128x128xf32, #tpu.memory_space<vmem>>) offsets(%dma_start3A_79 : memref<128xi32, #tpu.memory_space<vmem>>) semaphore(%arg13 : memref<!tpu.dma_semaphore, #tpu.memory_space<semaphore_mem>>)
    %dma_start3A_83 = arith.constant 256 : i32
    %dma_start3A_84 = arith.constant 0 : i32
    %dma_start3A_85 = tpu.memref_slice %arg10[%dma_start3A_83, %dma_start3A_84] : memref<320x128xf32, #tpu.memory_space<vmem>> -> memref<64x128xf32, #tpu.memory_space<vmem>>
    %dma_start3A_86 = arith.constant 256 : i32
    %dma_start3A_87 = tpu.memref_slice %arg7[%dma_start3A_86] : memref<320xi32, #tpu.memory_space<vmem>> -> memref<64xi32, #tpu.memory_space<vmem>>
    %dma_start3A_88 = arith.constant 0 : i32
    %dma_start3A_89 = arith.constant 0 : i32
    %dma_start3A_90 = tpu.memref_slice %arg3[%dma_start3A_88, %dma_start3A_89] : memref<1000001x128xf32, #tpu.memory_space<hbm>> -> memref<1000001x128xf32, #tpu.memory_space<hbm>>
    tpu.enqueue_indirect_dma source(%dma_start3A_90 : memref<1000001x128xf32, #tpu.memory_space<hbm>>) target(%dma_start3A_85 : memref<64x128xf32, #tpu.memory_space<vmem>>) offsets(%dma_start3A_87 : memref<64xi32, #tpu.memory_space<vmem>>) semaphore(%arg13 : memref<!tpu.dma_semaphore, #tpu.memory_space<semaphore_mem>>)
    %dma_wait3A_91 = arith.constant 0 : i32
    %dma_wait3A_92 = arith.constant 0 : i32
    %dma_wait3A_93 = tpu.memref_slice %arg3[%dma_wait3A_91, %dma_wait3A_92] : memref<1000001x128xf32, #tpu.memory_space<hbm>> -> memref<320x128xf32, #tpu.memory_space<hbm>>
    %dma_wait3A_94 = arith.constant 0 : i32
    %dma_wait3A_95 = arith.constant 0 : i32
    %dma_wait3A_96 = tpu.memref_slice %arg3[%dma_wait3A_94, %dma_wait3A_95] : memref<1000001x128xf32, #tpu.memory_space<hbm>> -> memref<320x128xf32, #tpu.memory_space<hbm>>
    tpu.wait_dma2 semaphore(%arg12 : memref<!tpu.dma_semaphore, #tpu.memory_space<semaphore_mem>>) src(%dma_wait3A_96 : memref<320x128xf32, #tpu.memory_space<hbm>>) dst(%arg9 : memref<320x128xf32, #tpu.memory_space<vmem>>)
    %add3A_97 = arith.constant 320 : i32
    %add3A_98 = arith.addi %mul3A_2, %add3A_97 : i32
    %dma_start3A_99 = arith.constant 0 : i32
    %dma_start3A_100 = tpu.memref_slice %arg4[%add3A_98, %dma_start3A_99] : memref<3276800x128xf32, #tpu.memory_space<hbm>> -> memref<320x128xf32, #tpu.memory_space<hbm>>
    %dma_start3A_101 = arith.constant 0 : i32
    %dma_start3A_102 = tpu.memref_slice %arg4[%add3A_98, %dma_start3A_101] : memref<3276800x128xf32, #tpu.memory_space<hbm>> -> memref<320x128xf32, #tpu.memory_space<hbm>>
    tpu.enqueue_dma source(%arg9 : memref<320x128xf32, #tpu.memory_space<vmem>>) target(%dma_start3A_102 : memref<320x128xf32, #tpu.memory_space<hbm>>) target_semaphore(%arg15 : memref<!tpu.dma_semaphore, #tpu.memory_space<semaphore_mem>>)
    %scan3A = arith.constant 0 : i32
    %scan3A_103 = arith.constant 0 : i32
    %scan3A_104 = arith.constant 105 : i32
    %scan3A_105 = arith.addi %scan3A_103, %scan3A_104 : i32
    %scan3A_106 = arith.constant 1 : i32
    scf.for %scan3A_226 = %scan3A_103 to %scan3A_105 step %scan3A_106  : i32 {
      %mul3A_227 = arith.constant 3 : i32
      %mul3A_228 = arith.muli %mul3A_227, %scan3A_226 : i32
      %add3A_229 = arith.constant 3 : i32
      %add3A_230 = arith.addi %add3A_229, %mul3A_228 : i32
      %dma_wait3A_231 = arith.constant 0 : i32
      %dma_wait3A_232 = arith.constant 0 : i32
      %dma_wait3A_233 = tpu.memref_slice %arg4[%dma_wait3A_231, %dma_wait3A_232] : memref<3276800x128xf32, #tpu.memory_space<hbm>> -> memref<320x128xf32, #tpu.memory_space<hbm>>
      %dma_wait3A_234 = arith.constant 0 : i32
      %dma_wait3A_235 = arith.constant 0 : i32
      %dma_wait3A_236 = tpu.memref_slice %arg4[%dma_wait3A_234, %dma_wait3A_235] : memref<3276800x128xf32, #tpu.memory_space<hbm>> -> memref<320x128xf32, #tpu.memory_space<hbm>>
      tpu.wait_dma2 semaphore(%arg14 : memref<!tpu.dma_semaphore, #tpu.memory_space<semaphore_mem>>) src(%arg8 : memref<320x128xf32, #tpu.memory_space<vmem>>) dst(%dma_wait3A_236 : memref<320x128xf32, #tpu.memory_space<hbm>>)
      %mul3A_237 = arith.constant 320 : i32
      %mul3A_238 = arith.muli %add3A_230, %mul3A_237 : i32
      %add3A_239 = arith.addi %mul3A_2, %mul3A_238 : i32
      "tpu.region"() ({
        %run_scoped3A = tpu.sem_alloc : memref<!tpu.dma_semaphore, #tpu.memory_space<semaphore_mem>>
        %dma_start3A_378 = tpu.memref_slice %arg2[%add3A_239] : memref<3276800xi32, #tpu.memory_space<hbm>> -> memref<320xi32, #tpu.memory_space<hbm>>
        %dma_start3A_379 = tpu.memref_slice %arg2[%add3A_239] : memref<3276800xi32, #tpu.memory_space<hbm>> -> memref<320xi32, #tpu.memory_space<hbm>>
        tpu.enqueue_dma source(%dma_start3A_379 : memref<320xi32, #tpu.memory_space<hbm>>) target(%arg5 : memref<320xi32, #tpu.memory_space<vmem>>) target_semaphore(%run_scoped3A : memref<!tpu.dma_semaphore, #tpu.memory_space<semaphore_mem>>)
        %dma_wait3A_380 = tpu.memref_slice %arg2[%add3A_239] : memref<3276800xi32, #tpu.memory_space<hbm>> -> memref<320xi32, #tpu.memory_space<hbm>>
        %dma_wait3A_381 = tpu.memref_slice %arg2[%add3A_239] : memref<3276800xi32, #tpu.memory_space<hbm>> -> memref<320xi32, #tpu.memory_space<hbm>>
        tpu.wait_dma2 semaphore(%run_scoped3A : memref<!tpu.dma_semaphore, #tpu.memory_space<semaphore_mem>>) src(%dma_wait3A_381 : memref<320xi32, #tpu.memory_space<hbm>>) dst(%arg5 : memref<320xi32, #tpu.memory_space<vmem>>)
        tpu.yield
      }) : () -> ()
      %dma_start3A_240 = arith.constant 0 : i32
      %dma_start3A_241 = arith.constant 0 : i32
      %dma_start3A_242 = tpu.memref_slice %arg8[%dma_start3A_240, %dma_start3A_241] : memref<320x128xf32, #tpu.memory_space<vmem>> -> memref<128x128xf32, #tpu.memory_space<vmem>>
      %dma_start3A_243 = arith.constant 0 : i32
      %dma_start3A_244 = tpu.memref_slice %arg5[%dma_start3A_243] : memref<320xi32, #tpu.memory_space<vmem>> -> memref<128xi32, #tpu.memory_space<vmem>>
      %dma_start3A_245 = arith.constant 0 : i32
      %dma_start3A_246 = arith.constant 0 : i32
      %dma_start3A_247 = tpu.memref_slice %arg3[%dma_start3A_245, %dma_start3A_246] : memref<1000001x128xf32, #tpu.memory_space<hbm>> -> memref<1000001x128xf32, #tpu.memory_space<hbm>>
      tpu.enqueue_indirect_dma source(%dma_start3A_247 : memref<1000001x128xf32, #tpu.memory_space<hbm>>) target(%dma_start3A_242 : memref<128x128xf32, #tpu.memory_space<vmem>>) offsets(%dma_start3A_244 : memref<128xi32, #tpu.memory_space<vmem>>) semaphore(%arg11 : memref<!tpu.dma_semaphore, #tpu.memory_space<semaphore_mem>>)
      %dma_start3A_248 = arith.constant 128 : i32
      %dma_start3A_249 = arith.constant 0 : i32
      %dma_start3A_250 = tpu.memref_slice %arg8[%dma_start3A_248, %dma_start3A_249] : memref<320x128xf32, #tpu.memory_space<vmem>> -> memref<128x128xf32, #tpu.memory_space<vmem>>
      %dma_start3A_251 = arith.constant 128 : i32
      %dma_start3A_252 = tpu.memref_slice %arg5[%dma_start3A_251] : memref<320xi32, #tpu.memory_space<vmem>> -> memref<128xi32, #tpu.memory_space<vmem>>
      %dma_start3A_253 = arith.constant 0 : i32
      %dma_start3A_254 = arith.constant 0 : i32
      %dma_start3A_255 = tpu.memref_slice %arg3[%dma_start3A_253, %dma_start3A_254] : memref<1000001x128xf32, #tpu.memory_space<hbm>> -> memref<1000001x128xf32, #tpu.memory_space<hbm>>
      tpu.enqueue_indirect_dma source(%dma_start3A_255 : memref<1000001x128xf32, #tpu.memory_space<hbm>>) target(%dma_start3A_250 : memref<128x128xf32, #tpu.memory_space<vmem>>) offsets(%dma_start3A_252 : memref<128xi32, #tpu.memory_space<vmem>>) semaphore(%arg11 : memref<!tpu.dma_semaphore, #tpu.memory_space<semaphore_mem>>)
      %dma_start3A_256 = arith.constant 256 : i32
      %dma_start3A_257 = arith.constant 0 : i32
      %dma_start3A_258 = tpu.memref_slice %arg8[%dma_start3A_256, %dma_start3A_257] : memref<320x128xf32, #tpu.memory_space<vmem>> -> memref<64x128xf32, #tpu.memory_space<vmem>>
      %dma_start3A_259 = arith.constant 256 : i32
      %dma_start3A_260 = tpu.memref_slice %arg5[%dma_start3A_259] : memref<320xi32, #tpu.memory_space<vmem>> -> memref<64xi32, #tpu.memory_space<vmem>>
      %dma_start3A_261 = arith.constant 0 : i32
      %dma_start3A_262 = arith.constant 0 : i32
      %dma_start3A_263 = tpu.memref_slice %arg3[%dma_start3A_261, %dma_start3A_262] : memref<1000001x128xf32, #tpu.memory_space<hbm>> -> memref<1000001x128xf32, #tpu.memory_space<hbm>>
      tpu.enqueue_indirect_dma source(%dma_start3A_263 : memref<1000001x128xf32, #tpu.memory_space<hbm>>) target(%dma_start3A_258 : memref<64x128xf32, #tpu.memory_space<vmem>>) offsets(%dma_start3A_260 : memref<64xi32, #tpu.memory_space<vmem>>) semaphore(%arg11 : memref<!tpu.dma_semaphore, #tpu.memory_space<semaphore_mem>>)
      %dma_wait3A_264 = arith.constant 0 : i32
      %dma_wait3A_265 = arith.constant 0 : i32
      %dma_wait3A_266 = tpu.memref_slice %arg3[%dma_wait3A_264, %dma_wait3A_265] : memref<1000001x128xf32, #tpu.memory_space<hbm>> -> memref<320x128xf32, #tpu.memory_space<hbm>>
      %dma_wait3A_267 = arith.constant 0 : i32
      %dma_wait3A_268 = arith.constant 0 : i32
      %dma_wait3A_269 = tpu.memref_slice %arg3[%dma_wait3A_267, %dma_wait3A_268] : memref<1000001x128xf32, #tpu.memory_space<hbm>> -> memref<320x128xf32, #tpu.memory_space<hbm>>
      tpu.wait_dma2 semaphore(%arg13 : memref<!tpu.dma_semaphore, #tpu.memory_space<semaphore_mem>>) src(%dma_wait3A_269 : memref<320x128xf32, #tpu.memory_space<hbm>>) dst(%arg10 : memref<320x128xf32, #tpu.memory_space<vmem>>)
      %sub3A = arith.constant 1 : i32
      %sub3A_270 = arith.subi %add3A_230, %sub3A : i32
      %mul3A_271 = arith.constant 320 : i32
      %mul3A_272 = arith.muli %sub3A_270, %mul3A_271 : i32
      %add3A_273 = arith.addi %mul3A_2, %mul3A_272 : i32
      %dma_start3A_274 = arith.constant 0 : i32
      %dma_start3A_275 = tpu.memref_slice %arg4[%add3A_273, %dma_start3A_274] : memref<3276800x128xf32, #tpu.memory_space<hbm>> -> memref<320x128xf32, #tpu.memory_space<hbm>>
      %dma_start3A_276 = arith.constant 0 : i32
      %dma_start3A_277 = tpu.memref_slice %arg4[%add3A_273, %dma_start3A_276] : memref<3276800x128xf32, #tpu.memory_space<hbm>> -> memref<320x128xf32, #tpu.memory_space<hbm>>
      tpu.enqueue_dma source(%arg10 : memref<320x128xf32, #tpu.memory_space<vmem>>) target(%dma_start3A_277 : memref<320x128xf32, #tpu.memory_space<hbm>>) target_semaphore(%arg16 : memref<!tpu.dma_semaphore, #tpu.memory_space<semaphore_mem>>)
      %add3A_278 = arith.constant 1 : i32
      %add3A_279 = arith.addi %add3A_230, %add3A_278 : i32
      %dma_wait3A_280 = arith.constant 0 : i32
      %dma_wait3A_281 = arith.constant 0 : i32
      %dma_wait3A_282 = tpu.memref_slice %arg4[%dma_wait3A_280, %dma_wait3A_281] : memref<3276800x128xf32, #tpu.memory_space<hbm>> -> memref<320x128xf32, #tpu.memory_space<hbm>>
      %dma_wait3A_283 = arith.constant 0 : i32
      %dma_wait3A_284 = arith.constant 0 : i32
      %dma_wait3A_285 = tpu.memref_slice %arg4[%dma_wait3A_283, %dma_wait3A_284] : memref<3276800x128xf32, #tpu.memory_space<hbm>> -> memref<320x128xf32, #tpu.memory_space<hbm>>
      tpu.wait_dma2 semaphore(%arg15 : memref<!tpu.dma_semaphore, #tpu.memory_space<semaphore_mem>>) src(%arg9 : memref<320x128xf32, #tpu.memory_space<vmem>>) dst(%dma_wait3A_285 : memref<320x128xf32, #tpu.memory_space<hbm>>)
      %mul3A_286 = arith.constant 320 : i32
      %mul3A_287 = arith.muli %add3A_279, %mul3A_286 : i32
      %add3A_288 = arith.addi %mul3A_2, %mul3A_287 : i32
      "tpu.region"() ({
        %run_scoped3A = tpu.sem_alloc : memref<!tpu.dma_semaphore, #tpu.memory_space<semaphore_mem>>
        %dma_start3A_378 = tpu.memref_slice %arg2[%add3A_288] : memref<3276800xi32, #tpu.memory_space<hbm>> -> memref<320xi32, #tpu.memory_space<hbm>>
        %dma_start3A_379 = tpu.memref_slice %arg2[%add3A_288] : memref<3276800xi32, #tpu.memory_space<hbm>> -> memref<320xi32, #tpu.memory_space<hbm>>
        tpu.enqueue_dma source(%dma_start3A_379 : memref<320xi32, #tpu.memory_space<hbm>>) target(%arg6 : memref<320xi32, #tpu.memory_space<vmem>>) target_semaphore(%run_scoped3A : memref<!tpu.dma_semaphore, #tpu.memory_space<semaphore_mem>>)
        %dma_wait3A_380 = tpu.memref_slice %arg2[%add3A_288] : memref<3276800xi32, #tpu.memory_space<hbm>> -> memref<320xi32, #tpu.memory_space<hbm>>
        %dma_wait3A_381 = tpu.memref_slice %arg2[%add3A_288] : memref<3276800xi32, #tpu.memory_space<hbm>> -> memref<320xi32, #tpu.memory_space<hbm>>
        tpu.wait_dma2 semaphore(%run_scoped3A : memref<!tpu.dma_semaphore, #tpu.memory_space<semaphore_mem>>) src(%dma_wait3A_381 : memref<320xi32, #tpu.memory_space<hbm>>) dst(%arg6 : memref<320xi32, #tpu.memory_space<vmem>>)
        tpu.yield
      }) : () -> ()
      %dma_start3A_289 = arith.constant 0 : i32
      %dma_start3A_290 = arith.constant 0 : i32
      %dma_start3A_291 = tpu.memref_slice %arg9[%dma_start3A_289, %dma_start3A_290] : memref<320x128xf32, #tpu.memory_space<vmem>> -> memref<128x128xf32, #tpu.memory_space<vmem>>
      %dma_start3A_292 = arith.constant 0 : i32
      %dma_start3A_293 = tpu.memref_slice %arg6[%dma_start3A_292] : memref<320xi32, #tpu.memory_space<vmem>> -> memref<128xi32, #tpu.memory_space<vmem>>
      %dma_start3A_294 = arith.constant 0 : i32
      %dma_start3A_295 = arith.constant 0 : i32
      %dma_start3A_296 = tpu.memref_slice %arg3[%dma_start3A_294, %dma_start3A_295] : memref<1000001x128xf32, #tpu.memory_space<hbm>> -> memref<1000001x128xf32, #tpu.memory_space<hbm>>
      tpu.enqueue_indirect_dma source(%dma_start3A_296 : memref<1000001x128xf32, #tpu.memory_space<hbm>>) target(%dma_start3A_291 : memref<128x128xf32, #tpu.memory_space<vmem>>) offsets(%dma_start3A_293 : memref<128xi32, #tpu.memory_space<vmem>>) semaphore(%arg12 : memref<!tpu.dma_semaphore, #tpu.memory_space<semaphore_mem>>)
      %dma_start3A_297 = arith.constant 128 : i32
      %dma_start3A_298 = arith.constant 0 : i32
      %dma_start3A_299 = tpu.memref_slice %arg9[%dma_start3A_297, %dma_start3A_298] : memref<320x128xf32, #tpu.memory_space<vmem>> -> memref<128x128xf32, #tpu.memory_space<vmem>>
      %dma_start3A_300 = arith.constant 128 : i32
      %dma_start3A_301 = tpu.memref_slice %arg6[%dma_start3A_300] : memref<320xi32, #tpu.memory_space<vmem>> -> memref<128xi32, #tpu.memory_space<vmem>>
      %dma_start3A_302 = arith.constant 0 : i32
      %dma_start3A_303 = arith.constant 0 : i32
      %dma_start3A_304 = tpu.memref_slice %arg3[%dma_start3A_302, %dma_start3A_303] : memref<1000001x128xf32, #tpu.memory_space<hbm>> -> memref<1000001x128xf32, #tpu.memory_space<hbm>>
      tpu.enqueue_indirect_dma source(%dma_start3A_304 : memref<1000001x128xf32, #tpu.memory_space<hbm>>) target(%dma_start3A_299 : memref<128x128xf32, #tpu.memory_space<vmem>>) offsets(%dma_start3A_301 : memref<128xi32, #tpu.memory_space<vmem>>) semaphore(%arg12 : memref<!tpu.dma_semaphore, #tpu.memory_space<semaphore_mem>>)
      %dma_start3A_305 = arith.constant 256 : i32
      %dma_start3A_306 = arith.constant 0 : i32
      %dma_start3A_307 = tpu.memref_slice %arg9[%dma_start3A_305, %dma_start3A_306] : memref<320x128xf32, #tpu.memory_space<vmem>> -> memref<64x128xf32, #tpu.memory_space<vmem>>
      %dma_start3A_308 = arith.constant 256 : i32
      %dma_start3A_309 = tpu.memref_slice %arg6[%dma_start3A_308] : memref<320xi32, #tpu.memory_space<vmem>> -> memref<64xi32, #tpu.memory_space<vmem>>
      %dma_start3A_310 = arith.constant 0 : i32
      %dma_start3A_311 = arith.constant 0 : i32
      %dma_start3A_312 = tpu.memref_slice %arg3[%dma_start3A_310, %dma_start3A_311] : memref<1000001x128xf32, #tpu.memory_space<hbm>> -> memref<1000001x128xf32, #tpu.memory_space<hbm>>
      tpu.enqueue_indirect_dma source(%dma_start3A_312 : memref<1000001x128xf32, #tpu.memory_space<hbm>>) target(%dma_start3A_307 : memref<64x128xf32, #tpu.memory_space<vmem>>) offsets(%dma_start3A_309 : memref<64xi32, #tpu.memory_space<vmem>>) semaphore(%arg12 : memref<!tpu.dma_semaphore, #tpu.memory_space<semaphore_mem>>)
      %dma_wait3A_313 = arith.constant 0 : i32
      %dma_wait3A_314 = arith.constant 0 : i32
      %dma_wait3A_315 = tpu.memref_slice %arg3[%dma_wait3A_313, %dma_wait3A_314] : memref<1000001x128xf32, #tpu.memory_space<hbm>> -> memref<320x128xf32, #tpu.memory_space<hbm>>
      %dma_wait3A_316 = arith.constant 0 : i32
      %dma_wait3A_317 = arith.constant 0 : i32
      %dma_wait3A_318 = tpu.memref_slice %arg3[%dma_wait3A_316, %dma_wait3A_317] : memref<1000001x128xf32, #tpu.memory_space<hbm>> -> memref<320x128xf32, #tpu.memory_space<hbm>>
      tpu.wait_dma2 semaphore(%arg11 : memref<!tpu.dma_semaphore, #tpu.memory_space<semaphore_mem>>) src(%dma_wait3A_318 : memref<320x128xf32, #tpu.memory_space<hbm>>) dst(%arg8 : memref<320x128xf32, #tpu.memory_space<vmem>>)
      %sub3A_319 = arith.constant 1 : i32
      %sub3A_320 = arith.subi %add3A_279, %sub3A_319 : i32
      %mul3A_321 = arith.constant 320 : i32
      %mul3A_322 = arith.muli %sub3A_320, %mul3A_321 : i32
      %add3A_323 = arith.addi %mul3A_2, %mul3A_322 : i32
      %dma_start3A_324 = arith.constant 0 : i32
      %dma_start3A_325 = tpu.memref_slice %arg4[%add3A_323, %dma_start3A_324] : memref<3276800x128xf32, #tpu.memory_space<hbm>> -> memref<320x128xf32, #tpu.memory_space<hbm>>
      %dma_start3A_326 = arith.constant 0 : i32
      %dma_start3A_327 = tpu.memref_slice %arg4[%add3A_323, %dma_start3A_326] : memref<3276800x128xf32, #tpu.memory_space<hbm>> -> memref<320x128xf32, #tpu.memory_space<hbm>>
      tpu.enqueue_dma source(%arg8 : memref<320x128xf32, #tpu.memory_space<vmem>>) target(%dma_start3A_327 : memref<320x128xf32, #tpu.memory_space<hbm>>) target_semaphore(%arg14 : memref<!tpu.dma_semaphore, #tpu.memory_space<semaphore_mem>>)
      %add3A_328 = arith.constant 2 : i32
      %add3A_329 = arith.addi %add3A_230, %add3A_328 : i32
      %dma_wait3A_330 = arith.constant 0 : i32
      %dma_wait3A_331 = arith.constant 0 : i32
      %dma_wait3A_332 = tpu.memref_slice %arg4[%dma_wait3A_330, %dma_wait3A_331] : memref<3276800x128xf32, #tpu.memory_space<hbm>> -> memref<320x128xf32, #tpu.memory_space<hbm>>
      %dma_wait3A_333 = arith.constant 0 : i32
      %dma_wait3A_334 = arith.constant 0 : i32
      %dma_wait3A_335 = tpu.memref_slice %arg4[%dma_wait3A_333, %dma_wait3A_334] : memref<3276800x128xf32, #tpu.memory_space<hbm>> -> memref<320x128xf32, #tpu.memory_space<hbm>>
      tpu.wait_dma2 semaphore(%arg16 : memref<!tpu.dma_semaphore, #tpu.memory_space<semaphore_mem>>) src(%arg10 : memref<320x128xf32, #tpu.memory_space<vmem>>) dst(%dma_wait3A_335 : memref<320x128xf32, #tpu.memory_space<hbm>>)
      %mul3A_336 = arith.constant 320 : i32
      %mul3A_337 = arith.muli %add3A_329, %mul3A_336 : i32
      %add3A_338 = arith.addi %mul3A_2, %mul3A_337 : i32
      "tpu.region"() ({
        %run_scoped3A = tpu.sem_alloc : memref<!tpu.dma_semaphore, #tpu.memory_space<semaphore_mem>>
        %dma_start3A_378 = tpu.memref_slice %arg2[%add3A_338] : memref<3276800xi32, #tpu.memory_space<hbm>> -> memref<320xi32, #tpu.memory_space<hbm>>
        %dma_start3A_379 = tpu.memref_slice %arg2[%add3A_338] : memref<3276800xi32, #tpu.memory_space<hbm>> -> memref<320xi32, #tpu.memory_space<hbm>>
        tpu.enqueue_dma source(%dma_start3A_379 : memref<320xi32, #tpu.memory_space<hbm>>) target(%arg7 : memref<320xi32, #tpu.memory_space<vmem>>) target_semaphore(%run_scoped3A : memref<!tpu.dma_semaphore, #tpu.memory_space<semaphore_mem>>)
        %dma_wait3A_380 = tpu.memref_slice %arg2[%add3A_338] : memref<3276800xi32, #tpu.memory_space<hbm>> -> memref<320xi32, #tpu.memory_space<hbm>>
        %dma_wait3A_381 = tpu.memref_slice %arg2[%add3A_338] : memref<3276800xi32, #tpu.memory_space<hbm>> -> memref<320xi32, #tpu.memory_space<hbm>>
        tpu.wait_dma2 semaphore(%run_scoped3A : memref<!tpu.dma_semaphore, #tpu.memory_space<semaphore_mem>>) src(%dma_wait3A_381 : memref<320xi32, #tpu.memory_space<hbm>>) dst(%arg7 : memref<320xi32, #tpu.memory_space<vmem>>)
        tpu.yield
      }) : () -> ()
      %dma_start3A_339 = arith.constant 0 : i32
      %dma_start3A_340 = arith.constant 0 : i32
      %dma_start3A_341 = tpu.memref_slice %arg10[%dma_start3A_339, %dma_start3A_340] : memref<320x128xf32, #tpu.memory_space<vmem>> -> memref<128x128xf32, #tpu.memory_space<vmem>>
      %dma_start3A_342 = arith.constant 0 : i32
      %dma_start3A_343 = tpu.memref_slice %arg7[%dma_start3A_342] : memref<320xi32, #tpu.memory_space<vmem>> -> memref<128xi32, #tpu.memory_space<vmem>>
      %dma_start3A_344 = arith.constant 0 : i32
      %dma_start3A_345 = arith.constant 0 : i32
      %dma_start3A_346 = tpu.memref_slice %arg3[%dma_start3A_344, %dma_start3A_345] : memref<1000001x128xf32, #tpu.memory_space<hbm>> -> memref<1000001x128xf32, #tpu.memory_space<hbm>>
      tpu.enqueue_indirect_dma source(%dma_start3A_346 : memref<1000001x128xf32, #tpu.memory_space<hbm>>) target(%dma_start3A_341 : memref<128x128xf32, #tpu.memory_space<vmem>>) offsets(%dma_start3A_343 : memref<128xi32, #tpu.memory_space<vmem>>) semaphore(%arg13 : memref<!tpu.dma_semaphore, #tpu.memory_space<semaphore_mem>>)
      %dma_start3A_347 = arith.constant 128 : i32
      %dma_start3A_348 = arith.constant 0 : i32
      %dma_start3A_349 = tpu.memref_slice %arg10[%dma_start3A_347, %dma_start3A_348] : memref<320x128xf32, #tpu.memory_space<vmem>> -> memref<128x128xf32, #tpu.memory_space<vmem>>
      %dma_start3A_350 = arith.constant 128 : i32
      %dma_start3A_351 = tpu.memref_slice %arg7[%dma_start3A_350] : memref<320xi32, #tpu.memory_space<vmem>> -> memref<128xi32, #tpu.memory_space<vmem>>
      %dma_start3A_352 = arith.constant 0 : i32
      %dma_start3A_353 = arith.constant 0 : i32
      %dma_start3A_354 = tpu.memref_slice %arg3[%dma_start3A_352, %dma_start3A_353] : memref<1000001x128xf32, #tpu.memory_space<hbm>> -> memref<1000001x128xf32, #tpu.memory_space<hbm>>
      tpu.enqueue_indirect_dma source(%dma_start3A_354 : memref<1000001x128xf32, #tpu.memory_space<hbm>>) target(%dma_start3A_349 : memref<128x128xf32, #tpu.memory_space<vmem>>) offsets(%dma_start3A_351 : memref<128xi32, #tpu.memory_space<vmem>>) semaphore(%arg13 : memref<!tpu.dma_semaphore, #tpu.memory_space<semaphore_mem>>)
      %dma_start3A_355 = arith.constant 256 : i32
      %dma_start3A_356 = arith.constant 0 : i32
      %dma_start3A_357 = tpu.memref_slice %arg10[%dma_start3A_355, %dma_start3A_356] : memref<320x128xf32, #tpu.memory_space<vmem>> -> memref<64x128xf32, #tpu.memory_space<vmem>>
      %dma_start3A_358 = arith.constant 256 : i32
      %dma_start3A_359 = tpu.memref_slice %arg7[%dma_start3A_358] : memref<320xi32, #tpu.memory_space<vmem>> -> memref<64xi32, #tpu.memory_space<vmem>>
      %dma_start3A_360 = arith.constant 0 : i32
      %dma_start3A_361 = arith.constant 0 : i32
      %dma_start3A_362 = tpu.memref_slice %arg3[%dma_start3A_360, %dma_start3A_361] : memref<1000001x128xf32, #tpu.memory_space<hbm>> -> memref<1000001x128xf32, #tpu.memory_space<hbm>>
      tpu.enqueue_indirect_dma source(%dma_start3A_362 : memref<1000001x128xf32, #tpu.memory_space<hbm>>) target(%dma_start3A_357 : memref<64x128xf32, #tpu.memory_space<vmem>>) offsets(%dma_start3A_359 : memref<64xi32, #tpu.memory_space<vmem>>) semaphore(%arg13 : memref<!tpu.dma_semaphore, #tpu.memory_space<semaphore_mem>>)
      %dma_wait3A_363 = arith.constant 0 : i32
      %dma_wait3A_364 = arith.constant 0 : i32
      %dma_wait3A_365 = tpu.memref_slice %arg3[%dma_wait3A_363, %dma_wait3A_364] : memref<1000001x128xf32, #tpu.memory_space<hbm>> -> memref<320x128xf32, #tpu.memory_space<hbm>>
      %dma_wait3A_366 = arith.constant 0 : i32
      %dma_wait3A_367 = arith.constant 0 : i32
      %dma_wait3A_368 = tpu.memref_slice %arg3[%dma_wait3A_366, %dma_wait3A_367] : memref<1000001x128xf32, #tpu.memory_space<hbm>> -> memref<320x128xf32, #tpu.memory_space<hbm>>
      tpu.wait_dma2 semaphore(%arg12 : memref<!tpu.dma_semaphore, #tpu.memory_space<semaphore_mem>>) src(%dma_wait3A_368 : memref<320x128xf32, #tpu.memory_space<hbm>>) dst(%arg9 : memref<320x128xf32, #tpu.memory_space<vmem>>)
      %sub3A_369 = arith.constant 1 : i32
      %sub3A_370 = arith.subi %add3A_329, %sub3A_369 : i32
      %mul3A_371 = arith.constant 320 : i32
      %mul3A_372 = arith.muli %sub3A_370, %mul3A_371 : i32
      %add3A_373 = arith.addi %mul3A_2, %mul3A_372 : i32
      %dma_start3A_374 = arith.constant 0 : i32
      %dma_start3A_375 = tpu.memref_slice %arg4[%add3A_373, %dma_start3A_374] : memref<3276800x128xf32, #tpu.memory_space<hbm>> -> memref<320x128xf32, #tpu.memory_space<hbm>>
      %dma_start3A_376 = arith.constant 0 : i32
      %dma_start3A_377 = tpu.memref_slice %arg4[%add3A_373, %dma_start3A_376] : memref<3276800x128xf32, #tpu.memory_space<hbm>> -> memref<320x128xf32, #tpu.memory_space<hbm>>
      tpu.enqueue_dma source(%arg9 : memref<320x128xf32, #tpu.memory_space<vmem>>) target(%dma_start3A_377 : memref<320x128xf32, #tpu.memory_space<hbm>>) target_semaphore(%arg15 : memref<!tpu.dma_semaphore, #tpu.memory_space<semaphore_mem>>)
    }
    %scan3A_107 = arith.constant 105 : i32
    %dma_wait3A_108 = arith.constant 0 : i32
    %dma_wait3A_109 = arith.constant 0 : i32
    %dma_wait3A_110 = tpu.memref_slice %arg4[%dma_wait3A_108, %dma_wait3A_109] : memref<3276800x128xf32, #tpu.memory_space<hbm>> -> memref<320x128xf32, #tpu.memory_space<hbm>>
    %dma_wait3A_111 = arith.constant 0 : i32
    %dma_wait3A_112 = arith.constant 0 : i32
    %dma_wait3A_113 = tpu.memref_slice %arg4[%dma_wait3A_111, %dma_wait3A_112] : memref<3276800x128xf32, #tpu.memory_space<hbm>> -> memref<320x128xf32, #tpu.memory_space<hbm>>
    tpu.wait_dma2 semaphore(%arg14 : memref<!tpu.dma_semaphore, #tpu.memory_space<semaphore_mem>>) src(%arg8 : memref<320x128xf32, #tpu.memory_space<vmem>>) dst(%dma_wait3A_113 : memref<320x128xf32, #tpu.memory_space<hbm>>)
    %add3A_114 = arith.constant 101760 : i32
    %add3A_115 = arith.addi %mul3A_2, %add3A_114 : i32
    "tpu.region"() ({
      %run_scoped3A = tpu.sem_alloc : memref<!tpu.dma_semaphore, #tpu.memory_space<semaphore_mem>>
      %dma_start3A_226 = tpu.memref_slice %arg2[%add3A_115] : memref<3276800xi32, #tpu.memory_space<hbm>> -> memref<320xi32, #tpu.memory_space<hbm>>
      %dma_start3A_227 = tpu.memref_slice %arg2[%add3A_115] : memref<3276800xi32, #tpu.memory_space<hbm>> -> memref<320xi32, #tpu.memory_space<hbm>>
      tpu.enqueue_dma source(%dma_start3A_227 : memref<320xi32, #tpu.memory_space<hbm>>) target(%arg5 : memref<320xi32, #tpu.memory_space<vmem>>) target_semaphore(%run_scoped3A : memref<!tpu.dma_semaphore, #tpu.memory_space<semaphore_mem>>)
      %dma_wait3A_228 = tpu.memref_slice %arg2[%add3A_115] : memref<3276800xi32, #tpu.memory_space<hbm>> -> memref<320xi32, #tpu.memory_space<hbm>>
      %dma_wait3A_229 = tpu.memref_slice %arg2[%add3A_115] : memref<3276800xi32, #tpu.memory_space<hbm>> -> memref<320xi32, #tpu.memory_space<hbm>>
      tpu.wait_dma2 semaphore(%run_scoped3A : memref<!tpu.dma_semaphore, #tpu.memory_space<semaphore_mem>>) src(%dma_wait3A_229 : memref<320xi32, #tpu.memory_space<hbm>>) dst(%arg5 : memref<320xi32, #tpu.memory_space<vmem>>)
      tpu.yield
    }) : () -> ()
    %dma_start3A_116 = arith.constant 0 : i32
    %dma_start3A_117 = arith.constant 0 : i32
    %dma_start3A_118 = tpu.memref_slice %arg8[%dma_start3A_116, %dma_start3A_117] : memref<320x128xf32, #tpu.memory_space<vmem>> -> memref<128x128xf32, #tpu.memory_space<vmem>>
    %dma_start3A_119 = arith.constant 0 : i32
    %dma_start3A_120 = tpu.memref_slice %arg5[%dma_start3A_119] : memref<320xi32, #tpu.memory_space<vmem>> -> memref<128xi32, #tpu.memory_space<vmem>>
    %dma_start3A_121 = arith.constant 0 : i32
    %dma_start3A_122 = arith.constant 0 : i32
    %dma_start3A_123 = tpu.memref_slice %arg3[%dma_start3A_121, %dma_start3A_122] : memref<1000001x128xf32, #tpu.memory_space<hbm>> -> memref<1000001x128xf32, #tpu.memory_space<hbm>>
    tpu.enqueue_indirect_dma source(%dma_start3A_123 : memref<1000001x128xf32, #tpu.memory_space<hbm>>) target(%dma_start3A_118 : memref<128x128xf32, #tpu.memory_space<vmem>>) offsets(%dma_start3A_120 : memref<128xi32, #tpu.memory_space<vmem>>) semaphore(%arg11 : memref<!tpu.dma_semaphore, #tpu.memory_space<semaphore_mem>>)
    %dma_start3A_124 = arith.constant 128 : i32
    %dma_start3A_125 = arith.constant 0 : i32
    %dma_start3A_126 = tpu.memref_slice %arg8[%dma_start3A_124, %dma_start3A_125] : memref<320x128xf32, #tpu.memory_space<vmem>> -> memref<128x128xf32, #tpu.memory_space<vmem>>
    %dma_start3A_127 = arith.constant 128 : i32
    %dma_start3A_128 = tpu.memref_slice %arg5[%dma_start3A_127] : memref<320xi32, #tpu.memory_space<vmem>> -> memref<128xi32, #tpu.memory_space<vmem>>
    %dma_start3A_129 = arith.constant 0 : i32
    %dma_start3A_130 = arith.constant 0 : i32
    %dma_start3A_131 = tpu.memref_slice %arg3[%dma_start3A_129, %dma_start3A_130] : memref<1000001x128xf32, #tpu.memory_space<hbm>> -> memref<1000001x128xf32, #tpu.memory_space<hbm>>
    tpu.enqueue_indirect_dma source(%dma_start3A_131 : memref<1000001x128xf32, #tpu.memory_space<hbm>>) target(%dma_start3A_126 : memref<128x128xf32, #tpu.memory_space<vmem>>) offsets(%dma_start3A_128 : memref<128xi32, #tpu.memory_space<vmem>>) semaphore(%arg11 : memref<!tpu.dma_semaphore, #tpu.memory_space<semaphore_mem>>)
    %dma_start3A_132 = arith.constant 256 : i32
    %dma_start3A_133 = arith.constant 0 : i32
    %dma_start3A_134 = tpu.memref_slice %arg8[%dma_start3A_132, %dma_start3A_133] : memref<320x128xf32, #tpu.memory_space<vmem>> -> memref<64x128xf32, #tpu.memory_space<vmem>>
    %dma_start3A_135 = arith.constant 256 : i32
    %dma_start3A_136 = tpu.memref_slice %arg5[%dma_start3A_135] : memref<320xi32, #tpu.memory_space<vmem>> -> memref<64xi32, #tpu.memory_space<vmem>>
    %dma_start3A_137 = arith.constant 0 : i32
    %dma_start3A_138 = arith.constant 0 : i32
    %dma_start3A_139 = tpu.memref_slice %arg3[%dma_start3A_137, %dma_start3A_138] : memref<1000001x128xf32, #tpu.memory_space<hbm>> -> memref<1000001x128xf32, #tpu.memory_space<hbm>>
    tpu.enqueue_indirect_dma source(%dma_start3A_139 : memref<1000001x128xf32, #tpu.memory_space<hbm>>) target(%dma_start3A_134 : memref<64x128xf32, #tpu.memory_space<vmem>>) offsets(%dma_start3A_136 : memref<64xi32, #tpu.memory_space<vmem>>) semaphore(%arg11 : memref<!tpu.dma_semaphore, #tpu.memory_space<semaphore_mem>>)
    %dma_wait3A_140 = arith.constant 0 : i32
    %dma_wait3A_141 = arith.constant 0 : i32
    %dma_wait3A_142 = tpu.memref_slice %arg3[%dma_wait3A_140, %dma_wait3A_141] : memref<1000001x128xf32, #tpu.memory_space<hbm>> -> memref<320x128xf32, #tpu.memory_space<hbm>>
    %dma_wait3A_143 = arith.constant 0 : i32
    %dma_wait3A_144 = arith.constant 0 : i32
    %dma_wait3A_145 = tpu.memref_slice %arg3[%dma_wait3A_143, %dma_wait3A_144] : memref<1000001x128xf32, #tpu.memory_space<hbm>> -> memref<320x128xf32, #tpu.memory_space<hbm>>
    tpu.wait_dma2 semaphore(%arg13 : memref<!tpu.dma_semaphore, #tpu.memory_space<semaphore_mem>>) src(%dma_wait3A_145 : memref<320x128xf32, #tpu.memory_space<hbm>>) dst(%arg10 : memref<320x128xf32, #tpu.memory_space<vmem>>)
    %add3A_146 = arith.constant 101440 : i32
    %add3A_147 = arith.addi %mul3A_2, %add3A_146 : i32
    %dma_start3A_148 = arith.constant 0 : i32
    %dma_start3A_149 = tpu.memref_slice %arg4[%add3A_147, %dma_start3A_148] : memref<3276800x128xf32, #tpu.memory_space<hbm>> -> memref<320x128xf32, #tpu.memory_space<hbm>>
    %dma_start3A_150 = arith.constant 0 : i32
    %dma_start3A_151 = tpu.memref_slice %arg4[%add3A_147, %dma_start3A_150] : memref<3276800x128xf32, #tpu.memory_space<hbm>> -> memref<320x128xf32, #tpu.memory_space<hbm>>
    tpu.enqueue_dma source(%arg10 : memref<320x128xf32, #tpu.memory_space<vmem>>) target(%dma_start3A_151 : memref<320x128xf32, #tpu.memory_space<hbm>>) target_semaphore(%arg16 : memref<!tpu.dma_semaphore, #tpu.memory_space<semaphore_mem>>)
    %dma_wait3A_152 = arith.constant 0 : i32
    %dma_wait3A_153 = arith.constant 0 : i32
    %dma_wait3A_154 = tpu.memref_slice %arg4[%dma_wait3A_152, %dma_wait3A_153] : memref<3276800x128xf32, #tpu.memory_space<hbm>> -> memref<320x128xf32, #tpu.memory_space<hbm>>
    %dma_wait3A_155 = arith.constant 0 : i32
    %dma_wait3A_156 = arith.constant 0 : i32
    %dma_wait3A_157 = tpu.memref_slice %arg4[%dma_wait3A_155, %dma_wait3A_156] : memref<3276800x128xf32, #tpu.memory_space<hbm>> -> memref<320x128xf32, #tpu.memory_space<hbm>>
    tpu.wait_dma2 semaphore(%arg15 : memref<!tpu.dma_semaphore, #tpu.memory_space<semaphore_mem>>) src(%arg9 : memref<320x128xf32, #tpu.memory_space<vmem>>) dst(%dma_wait3A_157 : memref<320x128xf32, #tpu.memory_space<hbm>>)
    %add3A_158 = arith.constant 102080 : i32
    %add3A_159 = arith.addi %mul3A_2, %add3A_158 : i32
    "tpu.region"() ({
      %run_scoped3A = tpu.sem_alloc : memref<!tpu.dma_semaphore, #tpu.memory_space<semaphore_mem>>
      %dma_start3A_226 = tpu.memref_slice %arg2[%add3A_159] : memref<3276800xi32, #tpu.memory_space<hbm>> -> memref<320xi32, #tpu.memory_space<hbm>>
      %dma_start3A_227 = tpu.memref_slice %arg2[%add3A_159] : memref<3276800xi32, #tpu.memory_space<hbm>> -> memref<320xi32, #tpu.memory_space<hbm>>
      tpu.enqueue_dma source(%dma_start3A_227 : memref<320xi32, #tpu.memory_space<hbm>>) target(%arg6 : memref<320xi32, #tpu.memory_space<vmem>>) target_semaphore(%run_scoped3A : memref<!tpu.dma_semaphore, #tpu.memory_space<semaphore_mem>>)
      %dma_wait3A_228 = tpu.memref_slice %arg2[%add3A_159] : memref<3276800xi32, #tpu.memory_space<hbm>> -> memref<320xi32, #tpu.memory_space<hbm>>
      %dma_wait3A_229 = tpu.memref_slice %arg2[%add3A_159] : memref<3276800xi32, #tpu.memory_space<hbm>> -> memref<320xi32, #tpu.memory_space<hbm>>
      tpu.wait_dma2 semaphore(%run_scoped3A : memref<!tpu.dma_semaphore, #tpu.memory_space<semaphore_mem>>) src(%dma_wait3A_229 : memref<320xi32, #tpu.memory_space<hbm>>) dst(%arg6 : memref<320xi32, #tpu.memory_space<vmem>>)
      tpu.yield
    }) : () -> ()
    %dma_start3A_160 = arith.constant 0 : i32
    %dma_start3A_161 = arith.constant 0 : i32
    %dma_start3A_162 = tpu.memref_slice %arg9[%dma_start3A_160, %dma_start3A_161] : memref<320x128xf32, #tpu.memory_space<vmem>> -> memref<128x128xf32, #tpu.memory_space<vmem>>
    %dma_start3A_163 = arith.constant 0 : i32
    %dma_start3A_164 = tpu.memref_slice %arg6[%dma_start3A_163] : memref<320xi32, #tpu.memory_space<vmem>> -> memref<128xi32, #tpu.memory_space<vmem>>
    %dma_start3A_165 = arith.constant 0 : i32
    %dma_start3A_166 = arith.constant 0 : i32
    %dma_start3A_167 = tpu.memref_slice %arg3[%dma_start3A_165, %dma_start3A_166] : memref<1000001x128xf32, #tpu.memory_space<hbm>> -> memref<1000001x128xf32, #tpu.memory_space<hbm>>
    tpu.enqueue_indirect_dma source(%dma_start3A_167 : memref<1000001x128xf32, #tpu.memory_space<hbm>>) target(%dma_start3A_162 : memref<128x128xf32, #tpu.memory_space<vmem>>) offsets(%dma_start3A_164 : memref<128xi32, #tpu.memory_space<vmem>>) semaphore(%arg12 : memref<!tpu.dma_semaphore, #tpu.memory_space<semaphore_mem>>)
    %dma_start3A_168 = arith.constant 128 : i32
    %dma_start3A_169 = arith.constant 0 : i32
    %dma_start3A_170 = tpu.memref_slice %arg9[%dma_start3A_168, %dma_start3A_169] : memref<320x128xf32, #tpu.memory_space<vmem>> -> memref<128x128xf32, #tpu.memory_space<vmem>>
    %dma_start3A_171 = arith.constant 128 : i32
    %dma_start3A_172 = tpu.memref_slice %arg6[%dma_start3A_171] : memref<320xi32, #tpu.memory_space<vmem>> -> memref<128xi32, #tpu.memory_space<vmem>>
    %dma_start3A_173 = arith.constant 0 : i32
    %dma_start3A_174 = arith.constant 0 : i32
    %dma_start3A_175 = tpu.memref_slice %arg3[%dma_start3A_173, %dma_start3A_174] : memref<1000001x128xf32, #tpu.memory_space<hbm>> -> memref<1000001x128xf32, #tpu.memory_space<hbm>>
    tpu.enqueue_indirect_dma source(%dma_start3A_175 : memref<1000001x128xf32, #tpu.memory_space<hbm>>) target(%dma_start3A_170 : memref<128x128xf32, #tpu.memory_space<vmem>>) offsets(%dma_start3A_172 : memref<128xi32, #tpu.memory_space<vmem>>) semaphore(%arg12 : memref<!tpu.dma_semaphore, #tpu.memory_space<semaphore_mem>>)
    %dma_start3A_176 = arith.constant 256 : i32
    %dma_start3A_177 = arith.constant 0 : i32
    %dma_start3A_178 = tpu.memref_slice %arg9[%dma_start3A_176, %dma_start3A_177] : memref<320x128xf32, #tpu.memory_space<vmem>> -> memref<64x128xf32, #tpu.memory_space<vmem>>
    %dma_start3A_179 = arith.constant 256 : i32
    %dma_start3A_180 = tpu.memref_slice %arg6[%dma_start3A_179] : memref<320xi32, #tpu.memory_space<vmem>> -> memref<64xi32, #tpu.memory_space<vmem>>
    %dma_start3A_181 = arith.constant 0 : i32
    %dma_start3A_182 = arith.constant 0 : i32
    %dma_start3A_183 = tpu.memref_slice %arg3[%dma_start3A_181, %dma_start3A_182] : memref<1000001x128xf32, #tpu.memory_space<hbm>> -> memref<1000001x128xf32, #tpu.memory_space<hbm>>
    tpu.enqueue_indirect_dma source(%dma_start3A_183 : memref<1000001x128xf32, #tpu.memory_space<hbm>>) target(%dma_start3A_178 : memref<64x128xf32, #tpu.memory_space<vmem>>) offsets(%dma_start3A_180 : memref<64xi32, #tpu.memory_space<vmem>>) semaphore(%arg12 : memref<!tpu.dma_semaphore, #tpu.memory_space<semaphore_mem>>)
    %dma_wait3A_184 = arith.constant 0 : i32
    %dma_wait3A_185 = arith.constant 0 : i32
    %dma_wait3A_186 = tpu.memref_slice %arg3[%dma_wait3A_184, %dma_wait3A_185] : memref<1000001x128xf32, #tpu.memory_space<hbm>> -> memref<320x128xf32, #tpu.memory_space<hbm>>
    %dma_wait3A_187 = arith.constant 0 : i32
    %dma_wait3A_188 = arith.constant 0 : i32
    %dma_wait3A_189 = tpu.memref_slice %arg3[%dma_wait3A_187, %dma_wait3A_188] : memref<1000001x128xf32, #tpu.memory_space<hbm>> -> memref<320x128xf32, #tpu.memory_space<hbm>>
    tpu.wait_dma2 semaphore(%arg11 : memref<!tpu.dma_semaphore, #tpu.memory_space<semaphore_mem>>) src(%dma_wait3A_189 : memref<320x128xf32, #tpu.memory_space<hbm>>) dst(%arg8 : memref<320x128xf32, #tpu.memory_space<vmem>>)
    %add3A_190 = arith.constant 101760 : i32
    %add3A_191 = arith.addi %mul3A_2, %add3A_190 : i32
    %dma_start3A_192 = arith.constant 0 : i32
    %dma_start3A_193 = tpu.memref_slice %arg4[%add3A_191, %dma_start3A_192] : memref<3276800x128xf32, #tpu.memory_space<hbm>> -> memref<320x128xf32, #tpu.memory_space<hbm>>
    %dma_start3A_194 = arith.constant 0 : i32
    %dma_start3A_195 = tpu.memref_slice %arg4[%add3A_191, %dma_start3A_194] : memref<3276800x128xf32, #tpu.memory_space<hbm>> -> memref<320x128xf32, #tpu.memory_space<hbm>>
    tpu.enqueue_dma source(%arg8 : memref<320x128xf32, #tpu.memory_space<vmem>>) target(%dma_start3A_195 : memref<320x128xf32, #tpu.memory_space<hbm>>) target_semaphore(%arg14 : memref<!tpu.dma_semaphore, #tpu.memory_space<semaphore_mem>>)
    %dma_wait3A_196 = arith.constant 0 : i32
    %dma_wait3A_197 = arith.constant 0 : i32
    %dma_wait3A_198 = tpu.memref_slice %arg3[%dma_wait3A_196, %dma_wait3A_197] : memref<1000001x128xf32, #tpu.memory_space<hbm>> -> memref<320x128xf32, #tpu.memory_space<hbm>>
    %dma_wait3A_199 = arith.constant 0 : i32
    %dma_wait3A_200 = arith.constant 0 : i32
    %dma_wait3A_201 = tpu.memref_slice %arg3[%dma_wait3A_199, %dma_wait3A_200] : memref<1000001x128xf32, #tpu.memory_space<hbm>> -> memref<320x128xf32, #tpu.memory_space<hbm>>
    tpu.wait_dma2 semaphore(%arg12 : memref<!tpu.dma_semaphore, #tpu.memory_space<semaphore_mem>>) src(%dma_wait3A_201 : memref<320x128xf32, #tpu.memory_space<hbm>>) dst(%arg9 : memref<320x128xf32, #tpu.memory_space<vmem>>)
    %add3A_202 = arith.constant 102080 : i32
    %add3A_203 = arith.addi %mul3A_2, %add3A_202 : i32
    %dma_start3A_204 = arith.constant 0 : i32
    %dma_start3A_205 = tpu.memref_slice %arg4[%add3A_203, %dma_start3A_204] : memref<3276800x128xf32, #tpu.memory_space<hbm>> -> memref<320x128xf32, #tpu.memory_space<hbm>>
    %dma_start3A_206 = arith.constant 0 : i32
    %dma_start3A_207 = tpu.memref_slice %arg4[%add3A_203, %dma_start3A_206] : memref<3276800x128xf32, #tpu.memory_space<hbm>> -> memref<320x128xf32, #tpu.memory_space<hbm>>
    tpu.enqueue_dma source(%arg9 : memref<320x128xf32, #tpu.memory_space<vmem>>) target(%dma_start3A_207 : memref<320x128xf32, #tpu.memory_space<hbm>>) target_semaphore(%arg15 : memref<!tpu.dma_semaphore, #tpu.memory_space<semaphore_mem>>)
    %dma_wait3A_208 = arith.constant 0 : i32
    %dma_wait3A_209 = arith.constant 0 : i32
    %dma_wait3A_210 = tpu.memref_slice %arg4[%dma_wait3A_208, %dma_wait3A_209] : memref<3276800x128xf32, #tpu.memory_space<hbm>> -> memref<320x128xf32, #tpu.memory_space<hbm>>
    %dma_wait3A_211 = arith.constant 0 : i32
    %dma_wait3A_212 = arith.constant 0 : i32
    %dma_wait3A_213 = tpu.memref_slice %arg4[%dma_wait3A_211, %dma_wait3A_212] : memref<3276800x128xf32, #tpu.memory_space<hbm>> -> memref<320x128xf32, #tpu.memory_space<hbm>>
    tpu.wait_dma2 semaphore(%arg14 : memref<!tpu.dma_semaphore, #tpu.memory_space<semaphore_mem>>) src(%arg8 : memref<320x128xf32, #tpu.memory_space<vmem>>) dst(%dma_wait3A_213 : memref<320x128xf32, #tpu.memory_space<hbm>>)
    %dma_wait3A_214 = arith.constant 0 : i32
    %dma_wait3A_215 = arith.constant 0 : i32
    %dma_wait3A_216 = tpu.memref_slice %arg4[%dma_wait3A_214, %dma_wait3A_215] : memref<3276800x128xf32, #tpu.memory_space<hbm>> -> memref<320x128xf32, #tpu.memory_space<hbm>>
    %dma_wait3A_217 = arith.constant 0 : i32
    %dma_wait3A_218 = arith.constant 0 : i32
    %dma_wait3A_219 = tpu.memref_slice %arg4[%dma_wait3A_217, %dma_wait3A_218] : memref<3276800x128xf32, #tpu.memory_space<hbm>> -> memref<320x128xf32, #tpu.memory_space<hbm>>
    tpu.wait_dma2 semaphore(%arg15 : memref<!tpu.dma_semaphore, #tpu.memory_space<semaphore_mem>>) src(%arg9 : memref<320x128xf32, #tpu.memory_space<vmem>>) dst(%dma_wait3A_219 : memref<320x128xf32, #tpu.memory_space<hbm>>)
    %dma_wait3A_220 = arith.constant 0 : i32
    %dma_wait3A_221 = arith.constant 0 : i32
    %dma_wait3A_222 = tpu.memref_slice %arg4[%dma_wait3A_220, %dma_wait3A_221] : memref<3276800x128xf32, #tpu.memory_space<hbm>> -> memref<320x128xf32, #tpu.memory_space<hbm>>
    %dma_wait3A_223 = arith.constant 0 : i32
    %dma_wait3A_224 = arith.constant 0 : i32
    %dma_wait3A_225 = tpu.memref_slice %arg4[%dma_wait3A_223, %dma_wait3A_224] : memref<3276800x128xf32, #tpu.memory_space<hbm>> -> memref<320x128xf32, #tpu.memory_space<hbm>>
    tpu.wait_dma2 semaphore(%arg16 : memref<!tpu.dma_semaphore, #tpu.memory_space<semaphore_mem>>) src(%arg10 : memref<320x128xf32, #tpu.memory_space<vmem>>) dst(%dma_wait3A_225 : memref<320x128xf32, #tpu.memory_space<hbm>>)
    return
  }
}

</mosaic_0001>

<sc_bundles>
// kernel: kernel.3.cloned.1.call-start
scs
__scs_entry_jumppad:
0x0: {  	(pc) =	sbr.rel $0x88, $3  }
0x1: {  	(tag) =	ssettag $0x0;
	lr =	simm.s32 $0x1  }
0x2: {  	[smem:$0x3F9F] =	sst lr;
	_ =	strace $0xD0000000  }
0x3: {  	_ = 	snop  }
0x4: {  	_ = 	snop  }
0x5: {  	_ = 	snop  }
0x6: {  	_ = 	snop  }
0x7: {  	_ = 	snop  }
__scs_overlays_trampoline_lowered:
0x8: {  	[smem:$0x3FAE] =	sst s0  }
0x9: {  	[smem:$0x3FAF] =	sst s1  }
0xa: {  	[smem:$0x3FB0] =	sst s2  }
0xb: {  	[smem:$0x3FB1] =	sst s3  }
0xc: {  	[smem:$0x3FB2] =	sst s4  }
0xd: {  	[smem:$0x3FB3] =	sst s5  }
0xe: {  	[smem:$0x3FB4] =	sst s6  }
0xf: {  	[smem:$0x3FB5] =	sst s7  }
0x10: {  	[smem:$0x3FB6] =	sst s8  }
0x11: {  	[smem:$0x3FB7] =	sst s9;
	s0 =	simm.s32 @!p0 $0x0  }
0x12: {  	s1 =	sld [smem:$0x3F9D];
	s0 =	simm.s32 @p0 $0x1  }
0x13: {  	[smem:$0x3FB8] =	sst s0;
	s0 =	simm.s32 @!p1 $0x0  }
0x14: {  	s2 =	sld [smem:$0x3F9C];
	s0 =	simm.s32 @p1 $0x1  }
0x15: {  	[smem:$0x3FB9] =	sst s0;
	s0 =	simm.s32 @!p2 $0x0  }
0x16: {  	s3 =	sld [smem:$0x3FDB];
	s0 =	simm.s32 @p2 $0x1  }
0x17: {  	s4 =	simm.s32 $0x1BF5;
	[smem:$0x3FBB] =	sst s0  }
0x18: {  	s0 =	sld [smem:$0x3F9E];
	_ =	swait.ge [sflag:s4], $0x0  }
0x19: {  	s7 =	sld [smem:$0x3F9F]  }
0x1a: {  	s8 =	sadd.s32 $0xFFFFE003, lr  }
0x1b: {  	s9 =	sadd.s32 $0xFFFFFEF7, lr;
	s5 =	simm.s32 $0xFFFFFFFF;
	p2 =	slt.u32 s8, $0xFFFFF086  }
0x1c: {  	p1 =	slt.u32 s9, $0xF7A;
	s5 =	simm.s32 @!p2 $0x0  }
0x1d: {  	s5 =	simm.s32 @p1 $0x1;
	p0 =	seq.s32 s7, s2  }
0x1e: {  	s7 =	smul.u32 @!p0 $0xF7A, s2;
	p2 =	seq.s32 @!p0 s5, $0x0  }
0x1f: {  	s9 =	smul.u32 $0xF7A, s1;
	s8 =	simm.s32 @!p0 $0x1BF5;
	p2 =	por !p2, p0  }
0x20: {  	[sflag:s8] =	ssyncset.s32 @!p0 $0xFFFFF086;
	s6 =	sadd.s32 @!p0 s3, s7;
	s7 =	simm.s32 @!p0 $0x108  }
0x21: {  	s3 =	sadd.s32 s3, s9;
	s6 =	sadd.s32 @!p0 $0x88, s6;
	s7 =	simm.s32 @p2 $0x1082  }
0x22: {  	[simem:s7], [sflag:s8] =	dma.local @!p0 [hbm:s6], $0xF7A  }
0x23: {  	s9 =	sor.u32 $0xD0000000, s2;
	s6 =	simm.s32 $0x108;
	_ =	swait.ge @!p0 [sflag:s8], $0x0  }
0x24: {  	s3 =	sadd.s32 $0x88, s3;
	s6 =	simm.s32 @!p1 $0x1082;
	[sflag:s4] =	ssyncset.s32 $0xFFFFF086  }
0x25: {  	[simem:s6], [sflag:s4] =	dma.local [hbm:s3], $0xF7A  }
0x26: {  	[smem:$0x3F9F] =	sst s1;
	(tag) =	ssettag s2;
	_ =	strace s9  }
0x27: {  	s1 =	sld [smem:$0x3FAF]  }
0x28: {  	s2 =	sld [smem:$0x3FB0]  }
0x29: {  	s4 =	sld [smem:$0x3FB2]  }
0x2a: {  	p0 =	seq.s32 s5, $0x0;
	s5 =	sld [smem:$0x3FB3]  }
0x2b: {  	s6 =	sld [smem:$0x3FB4]  }
0x2c: {  	s7 =	sld [smem:$0x3FB5]  }
0x2d: {  	s3 =	simm.s32 $0x108;
	s8 =	sld [smem:$0x3FB6]  }
0x2e: {  	s3 =	simm.s32 @!p0 $0x1082;
	s9 =	sld [smem:$0x3FB7]  }
0x2f: {  	lr =	sadd.s32 s0, s3;
	s0 =	sld [smem:$0x3FAE]  }
0x30: {  	s3 =	sld [smem:$0x3FB1]  }
0x31: {  	[smem:$0x3FBA] =	sst s10  }
0x32: {  	s10 =	sld [smem:$0x3FB8];
	_ =	sdelay $0x3  }
0x33: {  	p0 =	seq.s32 s10, $0x1;
	s10 =	sld [smem:$0x3FBA];
	_ =	sdelay $0x3  }
0x34: {  	[smem:$0x3FBA] =	sst s10  }
0x35: {  	s10 =	sld [smem:$0x3FB9];
	_ =	sdelay $0x3  }
0x36: {  	p1 =	seq.s32 s10, $0x1;
	s10 =	sld [smem:$0x3FBA];
	_ =	sdelay $0x3  }
0x37: {  	[smem:$0x3FBA] =	sst s10  }
0x38: {  	s10 =	sld [smem:$0x3FBB]  }
0x39: {  	_ = 	snop;
	(pc) =	sbr.ind lr, $3  }
0x3a: {  	_ = 	snop  }
0x3b: {  	_ = 	snop  }
0x3c: {  	p2 =	seq.s32 s10, $0x1;
	s10 =	sld [smem:$0x3FBA]  }
0x3d: {  	_ =	shalt  }
0x3e: {  	_ =	shalt  }
0x3f: {  	_ =	shalt  }
0x40: {  	_ =	shalt  }
0x41: {  	_ =	shalt  }
0x42: {  	_ =	shalt  }
0x43: {  	_ =	shalt  }
0x44: {  	_ =	shalt  }
0x45: {  	_ =	shalt  }
0x46: {  	_ =	shalt  }
0x47: {  	_ =	shalt  }
0x48: {  	_ =	shalt  }
0x49: {  	_ =	shalt  }
0x4a: {  	_ =	shalt  }
0x4b: {  	_ =	shalt  }
0x4c: {  	_ =	shalt  }
0x4d: {  	_ =	shalt  }
0x4e: {  	_ =	shalt  }
0x4f: {  	_ =	shalt  }
0x50: {  	_ =	shalt  }
0x51: {  	_ =	shalt  }
0x52: {  	_ =	shalt  }
0x53: {  	_ =	shalt  }
0x54: {  	_ =	shalt  }
0x55: {  	_ =	shalt  }
0x56: {  	_ =	shalt  }
0x57: {  	_ =	shalt  }
0x58: {  	_ =	shalt  }
0x59: {  	_ =	shalt  }
0x5a: {  	_ =	shalt  }
0x5b: {  	_ =	shalt  }
0x5c: {  	_ =	shalt  }
0x5d: {  	_ =	shalt  }
0x5e: {  	_ =	shalt  }
0x5f: {  	_ =	shalt  }
0x60: {  	_ =	shalt  }
0x61: {  	_ =	shalt  }
0x62: {  	_ =	shalt  }
0x63: {  	_ =	shalt  }
0x64: {  	_ =	shalt  }
0x65: {  	_ =	shalt  }
0x66: {  	_ =	shalt  }
0x67: {  	_ =	shalt  }
0x68: {  	_ =	shalt  }
0x69: {  	_ =	shalt  }
0x6a: {  	_ =	shalt  }
0x6b: {  	_ =	shalt  }
0x6c: {  	_ =	shalt  }
0x6d: {  	_ =	shalt  }
0x6e: {  	_ =	shalt  }
0x6f: {  	_ =	shalt  }
0x70: {  	_ =	shalt  }
0x71: {  	_ =	shalt  }
0x72: {  	_ =	shalt  }
0x73: {  	_ =	shalt  }
0x74: {  	_ =	shalt  }
0x75: {  	_ =	shalt  }
0x76: {  	_ =	shalt  }
0x77: {  	_ =	shalt  }
0x78: {  	_ =	shalt  }
0x79: {  	_ =	shalt  }
0x7a: {  	_ =	shalt  }
0x7b: {  	_ =	shalt  }
0x7c: {  	_ =	shalt  }
0x7d: {  	_ =	shalt  }
0x7e: {  	_ =	shalt  }
0x7f: {  	_ =	shalt  }
0x80: {  	_ =	shalt  }
0x81: {  	_ =	shalt  }
0x82: {  	_ =	shalt  }
0x83: {  	_ =	shalt  }
0x84: {  	_ =	shalt  }
0x85: {  	_ =	shalt  }
0x86: {  	_ =	shalt  }
0x87: {  	_ =	shalt  }
.Lfunc_end0:
.L_simem_size_0:
called_computation.1_lowered:
.L_overlay_start_0:
0x88: {  	s2 =	sld [smem:$0x3FD9]  }
0x89: {  	s3 =	sld [smem:$0x3FFE];
	_ =	sdelay $0x1  }
0x8a: {  	s1 =	srdreg.scid  }
0x8b: {  	s0 =	sand.u32 $0x1, s1  }
0x8c: {  	s16 =	sshll.u32 s0, $0xA;
	s2 =	sadd.s32 s3, s2  }
0x8d: {  	s2 =	sadd.s32 s2, s16  }
0x8e: {  	[smem:$0x3FC6] =	sst s2  }
0x8f: {  	_ = 	snop  }
0x90: {  	(tm) =	ssettm $0x1  }
0x91: {  	s17 =	sld [smem:$0x3FFB];
	_ =	sdelay $0x3  }
0x92: {  	_ =	strace s17  }
0x93: {  	s2 =	sld [smem:$0x3FFC];
	_ =	sdelay $0x3  }
0x94: {  	_ =	strace s2  }
0x95: {  	s2 =	sld [smem:$0x3FFD];
	_ =	sdelay $0x3  }
0x96: {  	_ =	strace s2  }
0x97: {  	_ =	strace $0x8FFFFFFF  }
0x98: {  	s18 =	sld [smem:$0x3FDB];
	_ =	sdelay $0x1  }
0x99: {  	s19 =	simm.s32 $_scs_section_size  }
0x9a: {  	s4 =	simm.s32 $_size__tile_overlayer_lowered;
	s5 =	simm.s32 $_tile_overlayer_lowered  }
0x9b: {  	s22 =	simm.s32 $0x1BFF;
	s21 =	sshll.u32 s5, $0x1;
	s2 =	sadd.s32 s19, s18  }
0x9c: {  	s6 =	simm.s32 $0x0;
	s20 =	sshll.u32 s4, $0x1;
	s4 =	sadd.s32 s21, s2  }
0x9d: {  	[timem:s6], [sflag:s22] =	dma.local [hbm:s4], s20  }
0x9e: {  	_ =	swait.ge [sflag:s22], s20  }
0x9f: {  	s3 =	ssub.s32 $0x0, s20;
	[sflag:s22] =	ssyncset.done $0x0  }
0xa0: {  	[sflag:s22] =	ssyncadd.s32 s3;
	_ =	sdelay $0x1  }
0xa1: {  	s23 =	simm.s32 $0x1B8B  }
0xa2: {  	_ =	swait.ge [sflag:s23], $0x1  }
0xa3: {  	[sflag:s23] =	ssyncset.done $0x0  }
0xa4: {  	s25 =	simm.s32 $0x1B8E;
	s24 =	sld [smem:$0x3FFE];
	[sflag:s23] =	ssyncadd.s32 $0xFFFFFFFF  }
0xa5: {  	s26 =	simm.s32 $execute0_lowered;
	[smem:$0x3FD2] =	sst s25  }
0xa6: {  	s4 =	sshll.u32 s26, $0x1;
	_ =	strace $0x80000046;
	[dreg:$0x1] =	wrdreg $0xFFFFFFFF  }
0xa7: {  	s28 =	simm.s32 $_size_execute0_lowered;
	s2 =	sadd.s32 s2, s4;
	[dreg:$0x0] =	wrdreg $0x0  }
0xa8: {  	s4 =	sshll.u32 s28, $0x1;
	[dreg:$0x2] =	wrdreg s2  }
0xa9: {  	[dreg:$0x3] =	wrdreg s4  }
0xaa: {  	[dreg:$0x4] =	wrdreg $0xC0  }
0xab: {  	_ =	task [dreg:s6], $0x5FFFF  }
0xac: {  	[dreg:$0x1] =	wrdreg $0xFFFFFFFF  }
0xad: {  	[dreg:$0x0] =	wrdreg $0x60  }
0xae: {  	[dreg:$0x2] =	wrdreg s24  }
0xaf: {  	[dreg:$0x3] =	wrdreg $0x9  }
0xb0: {  	_ =	task.clear_ibuf [dreg:s6], $0x4FFFF;
	_ =	strace $0x90000046  }
0xb1: {  	s29 =	simm.s32 $0x9;
	_ =	strace $0x80000048  }
0xb2: {  	_ =	swait.ge [sflag:s29], $0x1  }
0xb3: {  	[sflag:s29] =	ssyncadd.s32 $0xFFFFFFFF  }
0xb4: {  	_ =	strace $0x90000048  }
0xb5: {  	_ =	sfence  }
0xb6: {  	s30 =	sld [smem:$0x0];
	_ =	sdelay $0x2  }
0xb7: {  	s31 =	sshll.u32 s1, $0xD;
	s1 =	sshrl.u32 s1, $0x2  }
0xb8: {  	s3 =	sand.u32 $0x4000, s31;
	s1 =	sadd.s32 s1, s30  }
0xb9: {  	s0 =	sor.u32 s3, s0;
	s1 =	sshll.u32 s1, $0x11  }
0xba: {  	s0 =	sor.u32 s1, s0  }
0xbb: {  	s0 =	sadd.s32 $0x8F2B, s0  }
0xbc: {  	[sflag:s0] =	ssyncadd.remote.s32 $0x1  }
0xbd: {  	_ =	sfence.sel $0xFFFF  }
0xbe: {  	[dreg:$0x0] =	wrdreg $0xFFFFFFFF;
	(pc) =	sbr.abs _section_cstart, $3  }
0xbf: {  	[dreg:$0x1] =	wrdreg $0xFFFFFFFF  }
0xc0: {  	_ =	task.clear_ibuf [dreg:s6], $0x2FFFF;
	_ =	strace $0x9FFFFFFF  }
0xc1: {  	(tm) =	ssettm $0x7FFFFFFF  }
tec
execute0_lowered:
.L_overlay_start_1:
0x0: {  	(tag) =	ssettag $0x1  }
0x1: {  	s0 =	rddreg [dreg:$0x0]  }
0x2: {  	s1 =	srdreg.scid;
	s12 =	stileid.u32;
	s2 =	simm.s32 $0x0  }
0x3: {  	s30 =	simm.s32 $0x1C3C0;
	s31 =	simm.s32 $0x1C0;
	s28 =	simm.s32 $0x183C0  }
0x4: {  	s29 =	simm.s32 $0x380;
	s1 =	sand.u32 $0x1, s1;
	s3 =	sshll.u32 s12, $0x1  }
0x5: {  	s4 =	sor.u32 s1, s3;
	s7 =	ssub.s32 $0x2, s1;
	s1 =	smul.u32 $0x19000, s1  }
0x6: {  	[smem:$0x7FF] =	sst s2;
	s5 =	sadd.s32 $0x800, s0;
	s6 =	smul.u32 $0x19000, s4  }
0x7: {  	_ =	strace $0x80000047;
	s3 =	sadd.s32 $0x64800, s0;
	s10 =	smul.u32 $0x190000, s4  }
0x8: {  	s0 =	sadd.s32 $0xFA6E00, s0;
	s8 =	sshrl.u32 s7, $0x1;
	s4 =	smul.u32 $0xC80000, s4  }
0x9: {  	s7 =	ssub.s32 s7, s8;
	s9 =	sor.u32 $0x140, s6;
	s21 =	sshrl.u32 s6, $0x3  }
0xa: {  	s23 =	sadd.s32 s0, s10;
	s25 =	sadd.s32 $0x18D80, s6;
	s4 =	sshrl.u32 s4, $0x3  }
0xb: {  	s6 =	sadd.s32 $0x18EC0, s6;
	s19 =	smax.u32 s7, $0x1;
	s10 =	simm.s32 $0x4  }
0xc: {  	s7 =	simm.s32 $0x0;
	s11 =	sshrl.u32 s9, $0x3;
	s13 =	sadd.s32 s5, s21  }
0xd: {  	[dreg:$0x7] =	wrdreg s23;
	s24 =	sshll.u32 s9, $0x4;
	s4 =	sadd.s32 s0, s4  }
0xe: {  	s14 =	sshrl.u32 s6, $0x3;
	s16 =	sshll.u32 s25, $0x4;
	[dreg:$0xf] =	wrdreg s19  }
0xf: {  	s6 =	sshll.u32 s6, $0x4;
	s22 =	sadd.s32 s5, s11;
	[dreg:$0x5] =	wrdreg s13  }
0x10: {  	s19 =	simm.s32 $0x80;
	s26 =	sadd.s32 $0x50, s13;
	[dreg:$0x6] =	wrdreg s22  }
0x11: {  	s9 =	simm.s32 $0x2;
	s8 =	sadd.s32 s0, s24;
	[dreg:$0x8] =	wrdreg s26  }
0x12: {  	s11 =	sshrl.u32 s25, $0x3;
	s4 =	sadd.s32 $0x18C400, s4;
	[dreg:$0x9] =	wrdreg s8  }
0x13: {  	s13 =	smul.u32 $0x32000, s12;
	s15 =	sadd.s32 s5, s14;
	[dreg:$0xb] =	wrdreg s4  }
0x14: {  	s17 =	sadd.s32 s0, s6;
	s12 =	simm.s32 $0x5;
	[dreg:$0xc] =	wrdreg s15  }
0x15: {  	s8 =	sadd.s32 s5, s11;
	s4 =	sadd.s32 s0, s16;
	[dreg:$0xe] =	wrdreg s17  }
0x16: {  	s11 =	simm.s32 $0x3;
	[dreg:$0xa] =	wrdreg s8;
	s1 =	sadd.s32 s1, s13  }
0x17: {  	[dreg:$0xd] =	wrdreg s4;
	s8 =	simm.s32 $0x380;
	s13 =	simm.s32 $0x6  }
0x18: {  	s18 =	sor.u32 $0x640, s1;
	s20 =	sor.u32 $0x500, s1;
	s24 =	sshll.u32 s1, $0x4  }
0x19: {  	s1 =	sor.u32 $0x3C0, s1;
	s4 =	sshrl.u32 s18, $0x3;
	s21 =	sshll.u32 s20, $0x4  }
0x1a: {  	s6 =	sshrl.u32 s20, $0x3;
	s25 =	sshll.u32 s1, $0x4;
	s1 =	sshrl.u32 s1, $0x3  }
0x1b: {  	s18 =	simm.s32 $0x7;
	s20 =	simm.s32 $0x3C0;
	s4 =	sadd.s32 s4, s5  }
0x1c: {  	s22 =	sadd.s32 s21, s0;
	s23 =	sadd.s32 s6, s5;
	[dreg:$0x2] =	wrdreg s4  }
0x1d: {  	s26 =	sadd.s32 s1, s5;
	s1 =	simm.s32 $0x280;
	[dreg:$0x10] =	wrdreg s22  }
0x1e: {  	s5 =	simm.s32 $0x143C0;
	s6 =	simm.s32 $0x183C0;
	[dreg:$0x3] =	wrdreg s23  }
0x1f: {  	s4 =	sadd.s32 s24, s0;
	s0 =	sadd.s32 s25, s0;
	[dreg:$0x4] =	wrdreg s26  }
0x20: {  	s22 =	simm.s32 $0x40;
	s25 =	simm.s32 $0x140;
	s26 =	simm.s32 $0xA3C0  }
0x21: {  	s23 =	simm.s32 $0x1C3C0;
	s4 =	sadd.s32 $0x2800, s4;
	[dreg:$0x12] =	wrdreg s0  }
0x22: {  	s0 =	simm.s32 $0x1;
	[dreg:$0x11] =	wrdreg s4;
	s4 =	simm.s32 $0x300  }
.LBB2_1:
0x23: {  	[dreg:$0x13] =	wrdreg s7  }
0x24: {  	s14 =	rddreg [dreg:$0x5]  }
0x25: {  	[tilespmem:s2], [sflag:$0x7] =	stream.linear.gather [hbm4b:s14+s2], $0x140, $0x38;
	[tilespmem:$0x1E3C0] =	vst v63  }
0x26: {  	_ =	swait.ge [sflag:s18], $0x140  }
0x27: {  	[sflag:s18] =	ssyncset.done $0x0  }
0x28: {  	[sflag:s18] =	ssyncadd.s32 $0xFFFFFEC0  }
0x29: {  	[tilespmem:s20], [sflag:$0x1] =	stream.indirect.gather [hbm4b:s3+s19], $0x80, s2, s19, $0xb8;
	[tilespmem:$0x1E3C0] =	vst v63  }
0x2a: {  	s15 =	simm.s32 $0x43C0  }
0x2b: {  	[tilespmem:s15], [sflag:$0x1] =	stream.indirect.gather [hbm4b:s3+s19], $0x80, s19, s19, $0xb8;
	[tilespmem:$0x1E3C0] =	vst v63  }
0x2c: {  	s16 =	simm.s32 $0x100;
	s17 =	simm.s32 $0x83C0  }
0x2d: {  	[tilespmem:s17], [sflag:$0x1] =	stream.indirect.gather [hbm4b:s3+s22], $0x80, s16, s22, $0xb8;
	[tilespmem:$0x1E3C0] =	vst v63  }
0x2e: {  	s24 =	rddreg [dreg:$0x6]  }
0x2f: {  	[tilespmem:s25], [sflag:$0x7] =	stream.linear.gather [hbm4b:s24+s2], $0x140, $0x38;
	[tilespmem:$0x1E3C0] =	vst v63  }
0x30: {  	_ =	swait.ge [sflag:s18], $0x140  }
0x31: {  	[sflag:s18] =	ssyncset.done $0x0  }
0x32: {  	[sflag:s18] =	ssyncadd.s32 $0xFFFFFEC0  }
0x33: {  	[tilespmem:s26], [sflag:$0x2] =	stream.indirect.gather [hbm4b:s3+s19], $0x80, s25, s19, $0xb8;
	[tilespmem:$0x1E3C0] =	vst v63  }
0x34: {  	s7 =	simm.s32 $0x1C0;
	s24 =	simm.s32 $0xE3C0  }
0x35: {  	[tilespmem:s24], [sflag:$0x2] =	stream.indirect.gather [hbm4b:s3+s19], $0x80, s7, s19, $0xb8;
	[tilespmem:$0x1E3C0] =	vst v63  }
0x36: {  	s21 =	simm.s32 $0x123C0;
	s14 =	simm.s32 $0x240  }
0x37: {  	[tilespmem:s21], [sflag:$0x2] =	stream.indirect.gather [hbm4b:s3+s22], $0x80, s14, s22, $0xb8;
	[tilespmem:$0x1E3C0] =	vst v63  }
0x38: {  	_ =	swait.ge [sflag:s0], $0xA000  }
0x39: {  	[sflag:s0] =	ssyncset.done $0x0  }
0x3a: {  	s14 =	rddreg [dreg:$0x7];
	[sflag:s0] =	ssyncadd.s32 $0xFFFF6000  }
0x3b: {  	[hbm4b:s14+s2] =	stream.linear.scatter [tilespmem:s20], [sflag:$0x4], $0xA000, $0x38;
	[tilespmem:$0x1E3C0] =	vst v63  }
0x3c: {  	s14 =	rddreg [dreg:$0x8]  }
0x3d: {  	[tilespmem:s1], [sflag:$0x7] =	stream.linear.gather [hbm4b:s14+s2], $0x140, $0x38;
	[tilespmem:$0x1E3C0] =	vst v63  }
0x3e: {  	_ =	swait.ge [sflag:s18], $0x140  }
0x3f: {  	[sflag:s18] =	ssyncset.done $0x0  }
0x40: {  	[sflag:s18] =	ssyncadd.s32 $0xFFFFFEC0  }
0x41: {  	[tilespmem:s5], [sflag:$0x3] =	stream.indirect.gather [hbm4b:s3+s19], $0x80, s1, s19, $0xb8;
	[tilespmem:$0x1E3C0] =	vst v63  }
0x42: {  	_ = 	snop  }
0x43: {  	[tilespmem:s6], [sflag:$0x3] =	stream.indirect.gather [hbm4b:s3+s19], $0x80, s4, s19, $0xb8;
	[tilespmem:$0x1E3C0] =	vst v63  }
0x44: {  	_ = 	snop  }
0x45: {  	[tilespmem:s23], [sflag:$0x3] =	stream.indirect.gather [hbm4b:s3+s22], $0x80, s8, s22, $0xb8;
	[tilespmem:$0x1E3C0] =	vst v63  }
0x46: {  	_ =	swait.ge [sflag:s9], $0xA000  }
0x47: {  	[sflag:s9] =	ssyncset.done $0x0  }
0x48: {  	s6 =	rddreg [dreg:$0x9];
	[sflag:s9] =	ssyncadd.s32 $0xFFFF6000  }
0x49: {  	[hbm4b:s6+s2] =	stream.linear.scatter [tilespmem:s26], [sflag:$0x5], $0xA000, $0x38;
	[tilespmem:$0x1E3C0] =	vst v63  }
0x4a: {  	_ =	swait.ge [sflag:s10], $0xA000  }
0x4b: {  	s8 =	rddreg [dreg:$0x4];
	[sflag:s10] =	ssyncset.done $0x0  }
0x4c: {  	[sflag:s10] =	ssyncadd.s32 $0xFFFF6000;
	s14 =	sadd.s32 $0x0, s8  }
0x4d: {  	[tilespmem:s2], [sflag:$0x7] =	stream.linear.gather [hbm4b:s14+s2], $0x140, $0x38;
	[tilespmem:$0x1E3C0] =	vst v63  }
0x4e: {  	_ =	swait.ge [sflag:s18], $0x140  }
0x4f: {  	[sflag:s18] =	ssyncset.done $0x0  }
0x50: {  	[sflag:s18] =	ssyncadd.s32 $0xFFFFFEC0  }
0x51: {  	[tilespmem:s20], [sflag:$0x1] =	stream.indirect.gather [hbm4b:s3+s19], $0x80, s2, s19, $0xb8;
	[tilespmem:$0x1E3C0] =	vst v63  }
0x52: {  	_ = 	snop  }
0x53: {  	[tilespmem:s15], [sflag:$0x1] =	stream.indirect.gather [hbm4b:s3+s19], $0x80, s19, s19, $0xb8;
	[tilespmem:$0x1E3C0] =	vst v63  }
0x54: {  	_ = 	snop  }
0x55: {  	[tilespmem:s17], [sflag:$0x1] =	stream.indirect.gather [hbm4b:s3+s22], $0x80, s16, s22, $0xb8;
	[tilespmem:$0x1E3C0] =	vst v63  }
0x56: {  	_ =	swait.ge [sflag:s11], $0xA000  }
0x57: {  	[sflag:s11] =	ssyncset.done $0x0  }
0x58: {  	s23 =	rddreg [dreg:$0x11];
	[sflag:s11] =	ssyncadd.s32 $0xFFFF6000  }
0x59: {  	[hbm4b:s23+s2] =	stream.linear.scatter [tilespmem:s5], [sflag:$0x6], $0xA000, $0x38;
	[tilespmem:$0x1E3C0] =	vst v63  }
0x5a: {  	_ =	swait.ge [sflag:s12], $0xA000  }
0x5b: {  	s16 =	rddreg [dreg:$0x3];
	[sflag:s12] =	ssyncset.done $0x0  }
0x5c: {  	[sflag:s12] =	ssyncadd.s32 $0xFFFF6000;
	s14 =	sadd.s32 $0x0, s16  }
0x5d: {  	[tilespmem:s25], [sflag:$0x7] =	stream.linear.gather [hbm4b:s14+s2], $0x140, $0x38;
	[tilespmem:$0x1E3C0] =	vst v63  }
0x5e: {  	_ =	swait.ge [sflag:s18], $0x140  }
0x5f: {  	[sflag:s18] =	ssyncset.done $0x0  }
0x60: {  	[sflag:s18] =	ssyncadd.s32 $0xFFFFFEC0  }
0x61: {  	[tilespmem:s26], [sflag:$0x2] =	stream.indirect.gather [hbm4b:s3+s19], $0x80, s25, s19, $0xb8;
	[tilespmem:$0x1E3C0] =	vst v63  }
0x62: {  	_ = 	snop  }
0x63: {  	[tilespmem:s24], [sflag:$0x2] =	stream.indirect.gather [hbm4b:s3+s19], $0x80, s7, s19, $0xb8;
	[tilespmem:$0x1E3C0] =	vst v63  }
0x64: {  	s17 =	simm.s32 $0x240  }
0x65: {  	[tilespmem:s21], [sflag:$0x2] =	stream.indirect.gather [hbm4b:s3+s22], $0x80, s17, s22, $0xb8;
	[tilespmem:$0x1E3C0] =	vst v63  }
0x66: {  	_ =	swait.ge [sflag:s0], $0xA000  }
0x67: {  	[sflag:s0] =	ssyncset.done $0x0  }
0x68: {  	s21 =	rddreg [dreg:$0x12];
	[sflag:s0] =	ssyncadd.s32 $0xFFFF6000  }
0x69: {  	[hbm4b:s21+s2] =	stream.linear.scatter [tilespmem:s20], [sflag:$0x4], $0xA000, $0x38;
	[tilespmem:$0x1E3C0] =	vst v63  }
0x6a: {  	_ =	swait.ge [sflag:s13], $0xA000  }
0x6b: {  	s24 =	rddreg [dreg:$0x2];
	[sflag:s13] =	ssyncset.done $0x0  }
0x6c: {  	[sflag:s13] =	ssyncadd.s32 $0xFFFF6000;
	s14 =	sadd.s32 $0x0, s24  }
0x6d: {  	[tilespmem:s1], [sflag:$0x7] =	stream.linear.gather [hbm4b:s14+s2], $0x140, $0x38;
	[tilespmem:$0x1E3C0] =	vst v63  }
0x6e: {  	_ =	swait.ge [sflag:s18], $0x140  }
0x6f: {  	[sflag:s18] =	ssyncset.done $0x0  }
0x70: {  	[sflag:s18] =	ssyncadd.s32 $0xFFFFFEC0  }
0x71: {  	[tilespmem:s5], [sflag:$0x3] =	stream.indirect.gather [hbm4b:s3+s19], $0x80, s1, s19, $0xb8;
	[tilespmem:$0x1E3C0] =	vst v63  }
0x72: {  	s4 =	simm.s32 $0x300  }
0x73: {  	[tilespmem:s28], [sflag:$0x3] =	stream.indirect.gather [hbm4b:s3+s19], $0x80, s4, s19, $0xb8;
	[tilespmem:$0x1E3C0] =	vst v63  }
0x74: {  	s6 =	simm.s32 $0xE3C0  }
0x75: {  	[tilespmem:s30], [sflag:$0x3] =	stream.indirect.gather [hbm4b:s3+s22], $0x80, s29, s22, $0xb8;
	[tilespmem:$0x1E3C0] =	vst v63  }
0x76: {  	s8 =	simm.s32 $0x123C0;
	s15 =	simm.s32 $0x78;
	_ =	swait.ge [sflag:s9], $0xA000  }
0x77: {  	s16 =	sadd.s32 $0x3C00, s21;
	[sflag:s9] =	ssyncset.done $0x0;
	s21 =	rddreg [dreg:$0x10]  }
0x78: {  	s14 =	sadd.s32 $0x3C00, s23;
	[sflag:s9] =	ssyncadd.s32 $0xFFFF6000;
	s17 =	sadd.s32 $0x3C00, s21  }
.LBB2_2:
0x79: {  	[hbm4b:s21+s2] =	stream.linear.scatter [tilespmem:s26], [sflag:$0x5], $0xA000, $0x38;
	[tilespmem:$0x1E3C0] =	vst v63  }
0x7a: {  	_ =	swait.ge [sflag:s10], $0xA000  }
0x7b: {  	s23 =	smov.u32 s15;
	s24 =	rddreg [dreg:$0x4];
	[sflag:s10] =	ssyncset.done $0x0  }
0x7c: {  	[sflag:s10] =	ssyncadd.s32 $0xFFFF6000;
	s24 =	sadd.s32 s23, s24  }
0x7d: {  	[tilespmem:s2], [sflag:$0x7] =	stream.linear.gather [hbm4b:s24+s2], $0x140, $0x38;
	[tilespmem:$0x1E3C0] =	vst v63  }
0x7e: {  	_ =	swait.ge [sflag:s18], $0x140  }
0x7f: {  	[sflag:s18] =	ssyncset.done $0x0  }
0x80: {  	[sflag:s18] =	ssyncadd.s32 $0xFFFFFEC0  }
0x81: {  	[tilespmem:s20], [sflag:$0x1] =	stream.indirect.gather [hbm4b:s3+s19], $0x80, s2, s19, $0xb8;
	[tilespmem:$0x1E3C0] =	vst v63  }
0x82: {  	s7 =	simm.s32 $0x43C0  }
0x83: {  	[tilespmem:s7], [sflag:$0x1] =	stream.indirect.gather [hbm4b:s3+s19], $0x80, s19, s19, $0xb8;
	[tilespmem:$0x1E3C0] =	vst v63  }
0x84: {  	s24 =	simm.s32 $0x100;
	s7 =	simm.s32 $0x83C0  }
0x85: {  	[tilespmem:s7], [sflag:$0x1] =	stream.indirect.gather [hbm4b:s3+s22], $0x80, s24, s22, $0xb8;
	[tilespmem:$0x1E3C0] =	vst v63  }
0x86: {  	_ =	swait.ge [sflag:s11], $0xA000  }
0x87: {  	[sflag:s11] =	ssyncset.done $0x0  }
0x88: {  	[sflag:s11] =	ssyncadd.s32 $0xFFFF6000  }
0x89: {  	[hbm4b:s14+s2] =	stream.linear.scatter [tilespmem:s5], [sflag:$0x6], $0xA000, $0x38;
	[tilespmem:$0x1E3C0] =	vst v63  }
0x8a: {  	_ =	swait.ge [sflag:s12], $0xA000  }
0x8b: {  	s7 =	rddreg [dreg:$0x3];
	[sflag:s12] =	ssyncset.done $0x0  }
0x8c: {  	[sflag:s12] =	ssyncadd.s32 $0xFFFF6000;
	s24 =	sadd.s32 s23, s7  }
0x8d: {  	[tilespmem:s25], [sflag:$0x7] =	stream.linear.gather [hbm4b:s24+s2], $0x140, $0x38;
	[tilespmem:$0x1E3C0] =	vst v63  }
0x8e: {  	_ =	swait.ge [sflag:s18], $0x140  }
0x8f: {  	[sflag:s18] =	ssyncset.done $0x0  }
0x90: {  	[sflag:s18] =	ssyncadd.s32 $0xFFFFFEC0  }
0x91: {  	[tilespmem:s26], [sflag:$0x2] =	stream.indirect.gather [hbm4b:s3+s19], $0x80, s25, s19, $0xb8;
	[tilespmem:$0x1E3C0] =	vst v63  }
0x92: {  	_ = 	snop  }
0x93: {  	[tilespmem:s6], [sflag:$0x2] =	stream.indirect.gather [hbm4b:s3+s19], $0x80, s31, s19, $0xb8;
	[tilespmem:$0x1E3C0] =	vst v63  }
0x94: {  	s24 =	simm.s32 $0x240  }
0x95: {  	[tilespmem:s8], [sflag:$0x2] =	stream.indirect.gather [hbm4b:s3+s22], $0x80, s24, s22, $0xb8;
	[tilespmem:$0x1E3C0] =	vst v63  }
0x96: {  	_ =	swait.ge [sflag:s0], $0xA000  }
0x97: {  	[sflag:s0] =	ssyncset.done $0x0  }
0x98: {  	[sflag:s0] =	ssyncadd.s32 $0xFFFF6000  }
0x99: {  	[hbm4b:s16+s2] =	stream.linear.scatter [tilespmem:s20], [sflag:$0x4], $0xA000, $0x38;
	[tilespmem:$0x1E3C0] =	vst v63  }
0x9a: {  	_ =	swait.ge [sflag:s13], $0xA000  }
0x9b: {  	s7 =	rddreg [dreg:$0x2];
	[sflag:s13] =	ssyncset.done $0x0  }
0x9c: {  	[sflag:s13] =	ssyncadd.s32 $0xFFFF6000;
	s23 =	sadd.s32 s23, s7  }
0x9d: {  	[tilespmem:s1], [sflag:$0x7] =	stream.linear.gather [hbm4b:s23+s2], $0x140, $0x38;
	[tilespmem:$0x1E3C0] =	vst v63  }
0x9e: {  	_ =	swait.ge [sflag:s18], $0x140  }
0x9f: {  	[sflag:s18] =	ssyncset.done $0x0  }
0xa0: {  	[sflag:s18] =	ssyncadd.s32 $0xFFFFFEC0  }
0xa1: {  	[tilespmem:s5], [sflag:$0x3] =	stream.indirect.gather [hbm4b:s3+s19], $0x80, s1, s19, $0xb8;
	[tilespmem:$0x1E3C0] =	vst v63  }
0xa2: {  	p0 =	sne.s32 s15, $0x30C0  }
0xa3: {  	[tilespmem:s28], [sflag:$0x3] =	stream.indirect.gather [hbm4b:s3+s19], $0x80, s4, s19, $0xb8;
	[tilespmem:$0x1E3C0] =	vst v63  }
.Ltmp0:
0xa4: {  	_ = 	snop;
	(pc) =	sbr.rel @p0 .LBB2_2-.Ltmp0, $4  }
0xa5: {  	[tilespmem:s30], [sflag:$0x3] =	stream.indirect.gather [hbm4b:s3+s22], $0x80, s29, s22, $0xb8;
	[tilespmem:$0x1E3C0] =	vst v63  }
0xa6: {  	s21 =	smov.u32 s17;
	_ =	swait.ge [sflag:s9], $0xA000  }
0xa7: {  	s15 =	sadd.s32 $0x78, s15;
	s17 =	sadd.s32 $0x3C00, s17;
	[sflag:s9] =	ssyncset.done $0x0  }
0xa8: {  	s14 =	sadd.s32 $0x3C00, s14;
	s16 =	sadd.s32 $0x3C00, s16;
	[sflag:s9] =	ssyncadd.s32 $0xFFFF6000  }
0xa9: {  	[hbm4b:s21+s2] =	stream.linear.scatter [tilespmem:s26], [sflag:$0x5], $0xA000, $0x38;
	[tilespmem:$0x1E3C0] =	vst v63  }
0xaa: {  	_ =	swait.ge [sflag:s10], $0xA000  }
0xab: {  	[sflag:s10] =	ssyncset.done $0x0  }
0xac: {  	s14 =	rddreg [dreg:$0xa];
	[sflag:s10] =	ssyncadd.s32 $0xFFFF6000  }
0xad: {  	[tilespmem:s2], [sflag:$0x7] =	stream.linear.gather [hbm4b:s14+s2], $0x140, $0x38;
	[tilespmem:$0x1E3C0] =	vst v63  }
0xae: {  	_ =	swait.ge [sflag:s18], $0x140  }
0xaf: {  	[sflag:s18] =	ssyncset.done $0x0  }
0xb0: {  	[sflag:s18] =	ssyncadd.s32 $0xFFFFFEC0  }
0xb1: {  	[tilespmem:s20], [sflag:$0x1] =	stream.indirect.gather [hbm4b:s3+s19], $0x80, s2, s19, $0xb8;
	[tilespmem:$0x1E3C0] =	vst v63  }
0xb2: {  	s4 =	simm.s32 $0x43C0  }
0xb3: {  	[tilespmem:s4], [sflag:$0x1] =	stream.indirect.gather [hbm4b:s3+s19], $0x80, s19, s19, $0xb8;
	[tilespmem:$0x1E3C0] =	vst v63  }
0xb4: {  	s24 =	simm.s32 $0x100;
	s7 =	simm.s32 $0x83C0  }
0xb5: {  	[tilespmem:s7], [sflag:$0x1] =	stream.indirect.gather [hbm4b:s3+s22], $0x80, s24, s22, $0xb8;
	[tilespmem:$0x1E3C0] =	vst v63  }
0xb6: {  	_ =	swait.ge [sflag:s11], $0xA000  }
0xb7: {  	[sflag:s11] =	ssyncset.done $0x0  }
0xb8: {  	s15 =	rddreg [dreg:$0xb];
	[sflag:s11] =	ssyncadd.s32 $0xFFFF6000  }
0xb9: {  	[hbm4b:s15+s2] =	stream.linear.scatter [tilespmem:s5], [sflag:$0x6], $0xA000, $0x38;
	[tilespmem:$0x1E3C0] =	vst v63  }
0xba: {  	_ =	swait.ge [sflag:s12], $0xA000  }
0xbb: {  	[sflag:s12] =	ssyncset.done $0x0  }
0xbc: {  	s16 =	rddreg [dreg:$0xc];
	[sflag:s12] =	ssyncadd.s32 $0xFFFF6000  }
0xbd: {  	[tilespmem:s25], [sflag:$0x7] =	stream.linear.gather [hbm4b:s16+s2], $0x140, $0x38;
	[tilespmem:$0x1E3C0] =	vst v63  }
0xbe: {  	_ =	swait.ge [sflag:s18], $0x140  }
0xbf: {  	[sflag:s18] =	ssyncset.done $0x0  }
0xc0: {  	[sflag:s18] =	ssyncadd.s32 $0xFFFFFEC0  }
0xc1: {  	[tilespmem:s26], [sflag:$0x2] =	stream.indirect.gather [hbm4b:s3+s19], $0x80, s25, s19, $0xb8;
	[tilespmem:$0x1E3C0] =	vst v63  }
0xc2: {  	_ = 	snop  }
0xc3: {  	[tilespmem:s6], [sflag:$0x2] =	stream.indirect.gather [hbm4b:s3+s19], $0x80, s31, s19, $0xb8;
	[tilespmem:$0x1E3C0] =	vst v63  }
0xc4: {  	s17 =	simm.s32 $0x240  }
0xc5: {  	[tilespmem:s8], [sflag:$0x2] =	stream.indirect.gather [hbm4b:s3+s22], $0x80, s17, s22, $0xb8;
	[tilespmem:$0x1E3C0] =	vst v63  }
0xc6: {  	_ =	swait.ge [sflag:s0], $0xA000  }
0xc7: {  	[sflag:s0] =	ssyncset.done $0x0  }
0xc8: {  	s21 =	rddreg [dreg:$0xd];
	[sflag:s0] =	ssyncadd.s32 $0xFFFF6000  }
0xc9: {  	[hbm4b:s21+s2] =	stream.linear.scatter [tilespmem:s20], [sflag:$0x4], $0xA000, $0x38;
	[tilespmem:$0x1E3C0] =	vst v63  }
0xca: {  	_ =	swait.ge [sflag:s9], $0xA000  }
0xcb: {  	[sflag:s9] =	ssyncset.done $0x0  }
0xcc: {  	s23 =	rddreg [dreg:$0xe];
	[sflag:s9] =	ssyncadd.s32 $0xFFFF6000  }
0xcd: {  	[hbm4b:s23+s2] =	stream.linear.scatter [tilespmem:s26], [sflag:$0x5], $0xA000, $0x38;
	[tilespmem:$0x1E3C0] =	vst v63  }
0xce: {  	_ =	swait.ge [sflag:s10], $0xA000  }
0xcf: {  	[sflag:s10] =	ssyncset.done $0x0  }
0xd0: {  	[sflag:s10] =	ssyncadd.s32 $0xFFFF6000  }
0xd1: {  	_ =	swait.ge [sflag:s12], $0xA000  }
0xd2: {  	[sflag:s12] =	ssyncset.done $0x0  }
0xd3: {  	[sflag:s12] =	ssyncadd.s32 $0xFFFF6000  }
0xd4: {  	_ =	swait.ge [sflag:s13], $0xA000  }
0xd5: {  	s7 =	rddreg [dreg:$0x13]  }
0xd6: {  	s24 =	rddreg [dreg:$0xf];
	s7 =	sadd.s32 $0x1, s7  }
0xd7: {  	p0 =	sne.s32 s7, s24  }
.Ltmp1:
0xd8: {  	_ = 	snop;
	(pc) =	sbr.rel @p0 .LBB2_1-.Ltmp1, $3  }
0xd9: {  	_ =	sdelay $0x1  }
0xda: {  	s4 =	simm.s32 $0x300;
	s6 =	simm.s32 $0x183C0;
	[sflag:s13] =	ssyncset.done $0x0  }
0xdb: {  	s8 =	simm.s32 $0x380;
	s23 =	simm.s32 $0x1C3C0;
	[sflag:s13] =	ssyncadd.s32 $0xFFFF6000  }
0xdc: {  	_ =	sfence.sel $0x180000  }
0xdd: {  	[bflag:$0x0] =	sbarrier.arrive $0xFFFF  }
0xde: {  	_ =	strace $0x90000047  }
0xdf: {  	s0 =	stileid.u32;
	[bflag:$0x2] =	sbarrier.arrive $0xFFFF  }
0xe0: {  	p0 =	sne.s32 s0, $0x0;
	s0 =	rddreg [dreg:$0x1]  }
0xe1: {  	s0 =	sadd.s32 @!p0 $0x100000, s0  }
0xe2: {  	[sflag:s0] =	ssyncadd.tile.s32 @!p0 $0x1;
	_ =	shalt  }
.Lfunc_end2:
_tile_overlayer_lowered:
.L_overlay_start_2:
0xe3: {  	(tag) =	ssettag $0x2  }
0xe4: {  	s0 =	rddreg [dreg:$0x0];
	s2 =	stileid.u32  }
0xe5: {  	s1 =	rddreg [dreg:$0x1];
	p0 =	sne.s32 s2, $0x0  }
0xe6: {  	s3 =	rddreg [dreg:$0x2];
	[bflag:$0x3] =	sbarrier.arrive $0xFFFF;
	s2 =	simm.s32 @!p0 $0x1C07  }
0xe7: {  	[timem:s3], [sflag:s2] =	dma.local @!p0 [hbm:s0], s1  }
0xe8: {  	s0 =	simm.s32 @!p0 $0x7  }
0xe9: {  	_ =	swait.ge @!p0 [sflag:s0], s1  }
0xea: {  	s1 =	ssub.s32 @!p0 $0x0, s1;
	[sflag:s0] =	ssyncset.done @!p0 $0x0  }
0xeb: {  	[sflag:s0] =	ssyncadd.s32 @!p0 s1  }
0xec: {  	[bflag:$0x3] =	sbarrier.arrive $0xFFFF  }
0xed: {  	_ =	shalt  }

// kernel: sparse-core-data-format-call.cloned.1.call-start
scs
called_computation_lowered:
.L_overlay_start_0:
0x0: {  	s2 =	sld [smem:$0x3FD9]  }
0x1: {  	s3 =	sld [smem:$0x3FFE];
	_ =	sdelay $0x1  }
0x2: {  	s1 =	srdreg.scid  }
0x3: {  	s0 =	sand.u32 $0x1, s1  }
0x4: {  	s18 =	sshll.u32 s0, $0xA;
	s2 =	sadd.s32 s3, s2  }
0x5: {  	s2 =	sadd.s32 s2, s18  }
0x6: {  	[smem:$0x3FC6] =	sst s2  }
0x7: {  	_ = 	snop  }
0x8: {  	s2 =	sld [smem:$0x3FD0];
	(tm) =	ssettm $0x1  }
0x9: {  	s19 =	sld [smem:$0x3FFB];
	_ =	sdelay $0x3  }
0xa: {  	_ =	strace s19  }
0xb: {  	s3 =	sld [smem:$0x3FFC];
	_ =	sdelay $0x3  }
0xc: {  	_ =	strace s3  }
0xd: {  	s3 =	sld [smem:$0x3FFD];
	_ =	sdelay $0x3  }
0xe: {  	_ =	strace s3  }
0xf: {  	_ =	strace $0x8FFFFFFF  }
0x10: {  	s20 =	sld [smem:$0x3FDB];
	_ =	sdelay $0x1  }
0x11: {  	s4 =	simm.s32 $_scs_section_size  }
0x12: {  	s5 =	simm.s32 $_size__tile_overlayer_lowered;
	s6 =	simm.s32 $_tile_overlayer_lowered  }
0x13: {  	s23 =	simm.s32 $0x1BFF;
	s22 =	sshll.u32 s6, $0x1;
	s3 =	sadd.s32 s4, s20  }
0x14: {  	s7 =	simm.s32 $0x0;
	s21 =	sshll.u32 s5, $0x1;
	s5 =	sadd.s32 s22, s3  }
0x15: {  	[timem:s7], [sflag:s23] =	dma.local [hbm:s5], s21  }
0x16: {  	_ =	swait.ge [sflag:s23], s21  }
0x17: {  	s4 =	ssub.s32 $0x0, s21;
	[sflag:s23] =	ssyncset.done $0x0  }
0x18: {  	[sflag:s23] =	ssyncadd.s32 s4;
	_ =	sdelay $0x1  }
0x19: {  	s24 =	simm.s32 $0x1B8B  }
0x1a: {  	_ =	swait.ge [sflag:s24], $0x1  }
0x1b: {  	[sflag:s24] =	ssyncset.done $0x0  }
0x1c: {  	s26 =	simm.s32 $0x1B8E;
	s25 =	sld [smem:$0x3FFE];
	[sflag:s24] =	ssyncadd.s32 $0xFFFFFFFF  }
0x1d: {  	s27 =	simm.s32 $execute0_lowered;
	[smem:$0x3FD2] =	sst s26  }
0x1e: {  	s5 =	sshll.u32 s27, $0x1;
	_ =	strace $0x80000049;
	[dreg:$0x1] =	wrdreg $0xFFFFFFFF  }
0x1f: {  	s28 =	simm.s32 $_size_execute0_lowered;
	s3 =	sadd.s32 s3, s5;
	[dreg:$0x0] =	wrdreg $0x0  }
0x20: {  	s5 =	sshll.u32 s28, $0x1;
	[dreg:$0x2] =	wrdreg s3  }
0x21: {  	[dreg:$0x3] =	wrdreg s5  }
0x22: {  	[dreg:$0x4] =	wrdreg $0xC0  }
0x23: {  	_ =	task [dreg:s7], $0x5FFFF  }
0x24: {  	[dreg:$0x1] =	wrdreg $0xFFFFFFFF  }
0x25: {  	[dreg:$0x0] =	wrdreg $0x60  }
0x26: {  	[dreg:$0x2] =	wrdreg s25  }
0x27: {  	[dreg:$0x3] =	wrdreg s2  }
0x28: {  	[dreg:$0x4] =	wrdreg $0x9  }
0x29: {  	_ =	task.clear_ibuf [dreg:s7], $0x5FFFF;
	_ =	strace $0x90000049  }
0x2a: {  	s29 =	simm.s32 $0x9;
	_ =	strace $0x8000004B  }
0x2b: {  	_ =	swait.ge [sflag:s29], $0x1  }
0x2c: {  	[sflag:s29] =	ssyncadd.s32 $0xFFFFFFFF  }
0x2d: {  	_ =	strace $0x9000004B  }
0x2e: {  	_ =	sfence  }
0x2f: {  	s30 =	sld [smem:$0x0];
	_ =	sdelay $0x2  }
0x30: {  	s31 =	sshll.u32 s1, $0xD;
	s1 =	sshrl.u32 s1, $0x2  }
0x31: {  	s3 =	sand.u32 $0x4000, s31;
	s1 =	sadd.s32 s1, s30  }
0x32: {  	s0 =	sor.u32 s3, s0;
	s1 =	sshll.u32 s1, $0x11  }
0x33: {  	s0 =	sor.u32 s1, s0  }
0x34: {  	s0 =	sadd.s32 $0x8F2B, s0  }
0x35: {  	[sflag:s0] =	ssyncadd.remote.s32 $0x1  }
0x36: {  	_ =	sfence.sel $0xFFFF  }
0x37: {  	[dreg:$0x0] =	wrdreg $0xFFFFFFFF;
	(pc) =	sbr.abs _section_cstart, $3  }
0x38: {  	[dreg:$0x1] =	wrdreg $0xFFFFFFFF  }
0x39: {  	_ =	task.clear_ibuf [dreg:s7], $0x2FFFF;
	_ =	strace $0x9FFFFFFF  }
0x3a: {  	(tm) =	ssettm $0x7FFFFFFF  }
0x3b: {  	_ =	shalt  }
tec
execute0_lowered:
.L_overlay_start_1:
0x0: {  	(tag) =	ssettag $0x1  }
0x1: {  	s0 =	srdreg.scid  }
0x2: {  	s1 =	sshll.u32 s0, $0x4  }
0x3: {  	s0 =	stileid.u32;
	s1 =	sand.u32 $0x10, s1  }
0x4: {  	s1 =	sor.u32 s0, s1  }
0x5: {  	s6 =	rddreg [dreg:$0x0];
	s4 =	simm.s32 $0x1;
	s2 =	sshll.u32 s1, $0x7  }
0x6: {  	s7 =	simm.s32 $0x2;
	s12 =	simm.s32 $0x0;
	s1 =	ssub.s32 $0x4000, s2  }
0x7: {  	s8 =	simm.s32 $0x20000;
	s13 =	simm.s32 $0x0;
	s3 =	sand.u32 $0xF80, s1  }
0x8: {  	s9 =	simm.s32 $0x0;
	s5 =	sshrl.u32 s1, $0xC;
	p0 =	sne.s32 s3, $0x0  }
.Ltmp0:
0x9: {  	s1 =	rddreg [dreg:$0x2];
	s4 =	simm.s32 @!p0 $0x0;
	(pc) =	sbr.rel .LBB1_1-.Ltmp0, $4  }
0xa: {  	s11 =	simm.s32 $0x0;
	s3 =	rddreg [dreg:$0x1];
	s5 =	sadd.s32 s4, s5  }
0xb: {  	_ =	strace $0x8000004A;
	s4 =	simm.s32 $0x1;
	s5 =	smul.u32 $0xC8, s5  }
0xc: {  	s6 =	sadd.s32 $0xFA6E00, s6;
	s10 =	smov.u32 s2;
	[sflag:s4] =	ssyncpa.u1 $0x0  }
0xd: {  	p0 =	por $0x0, $0x0;
	[sflag:s7] =	ssyncpa.u1 $0x0;
	s7 =	sor.u32 $0x1, s5  }
.LBB1_4:
0xe: {  	s16 =	sshll.u32 s13, $0x3;
	s17 =	sand.u32 $0x78, s13  }
0xf: {  	s30 =	sand.u32 $0x1F800, s13;
	s12 =	sshll.u32 s12, $0x11;
	s16 =	sand.u32 $0x3C00, s16  }
0x10: {  	[tilespmem:s15+$0x810 ss:$0x81] =	vst.msk $0xffff, v2;
	s31 =	sand.u32 $0x7, s13;
	s16 =	sor.u32 s17, s16;
	s17 =	sadd.s32 s3, s30  }
0x11: {  	[tilespmem:s15+$0x1020 ss:$0x81] =	vst.msk $0xffff, v0;
	s13 =	sshll.u32 s31, $0x12;
	s12 =	sadd.s32 s12, s17;
	s16 =	sshrl.u32 s16, $0x3  }
0x12: {  	[tilespmem:s15+$0x0 ss:$0x81] =	vst.msk $0xffff, v1;
	s13 =	sor.u32 $0x400, s13;
	s12 =	sadd.s32 s16, s12  }
0x13: {  	[hbm4b:s12+s13] =	stream.strided.scatter [tilespmem:s14], [sflag:$0x2], $0x2000, s8, s13, $0x20;
	[tilespmem:$0x8080] =	vst v63  }
.LBB1_5:
0x14: {  	s14 =	sadd.s32 $0x1, s9  }
0x15: {  	s12 =	sadd.s32 $0x1000, s10;
	s16 =	smov.u32 s10;
	p2 =	sgt.s32 s14, $0xC7  }
0x16: {  	s16 =	smov.u32 @p2 s12  }
0x17: {  	s14 =	simm.s32 @p2 $0x0;
	p2 =	sgt.s32 s16, $0x3FFF  }
0x18: {  	s16 =	smov.u32 @p2 s2;
	p2 =	sne.s32 s11, s7  }
.Ltmp1:
0x19: {  	p1 =	slt.u32 s11, $0x2;
	(pc) =	sbr.rel @!p2 .LBB1_6-.Ltmp1, $4  }
0x1a: {  	s15 =	simm.s32 @!p1 $0x2  }
0x1b: {  	s13 =	smov.u32 s10;
	p0 =	por !p0, !p0;
	_ =	swait.ge @!p1 [sflag:s15], $0x2000  }
0x1c: {  	s12 =	smov.u32 s9;
	[sflag:s15] =	ssyncset.done @!p1 $0x0;
	s9 =	smov.u32 s14  }
0x1d: {  	s11 =	sadd.s32 $0x1, s11;
	[sflag:s15] =	ssyncadd.s32 @!p1 $0xFFFFE000;
	s10 =	smov.u32 s16  }
.LBB1_1:
0x1e: {  	p1 =	sge.u32 s11, s5  }
0x1f: {  	s14 =	sand.u32 @!p1 $0x1FFFFFF, s9  }
0x20: {  	s15 =	smulhi.u32 @!p1 $0x147AE15, s14;
	_ =	sdelay $0x1  }
0x21: {  	s15 =	smul.u32 @!p1 $0xC8, s15  }
0x22: {  	s16 =	sxor.u32 @!p1 $0xFFFFFFFF, s11;
	s17 =	smul.u32 @!p1 $0xC80, s10  }
0x23: {  	s31 =	sadd.s32 $0xFFFFFFFF, s11;
	s16 =	sshll.u32 @!p1 s16, $0xD;
	s14 =	ssub.s32 @!p1 s14, s15  }
0x24: {  	s15 =	sand.u32 @!p1 $0x2000, s16;
	s16 =	sadd.s32 @!p1 s6, s17;
	s14 =	sshll.u32 @!p1 s14, $0x4  }
0x25: {  	s17 =	simm.s32 @!p1 $0x6400;
	s14 =	sadd.s32 @!p1 s14, s16;
	s16 =	simm.s32 @!p1 $0x40  }
0x26: {  	[tilespmem:s15], [sflag:$0x1] =	stream.strided.gather @!p1 [hbm4b:s14+s16], $0x2000, s17, s16, $0x38;
	[tilespmem:$0x8080] =	vst v63  }
0x27: {  	p1 =	sge.u32 s31, s5  }
.Ltmp2:
0x28: {  	_ = 	snop;
	(pc) =	sbr.rel @p1 .LBB1_5-.Ltmp2, $1  }
0x29: {  	_ =	sdelay $0x3  }
0x2a: {  	s14 =	simm.s32 $0x1  }
0x2b: {  	_ =	swait.ge [sflag:s4], $0x2000;
	s14 =	simm.s32 @!p0 $0x0  }
0x2c: {  	[sflag:s4] =	ssyncset.done $0x0;
	s15 =	sshll.u32 s14, $0xD  }
0x2d: {  	[sflag:s4] =	ssyncadd.s32 $0xFFFFE000;
	s18 =	sor.u32 $0x20, s15  }
0x2e: {  	s14 =	smul.u32 $0x8100, s14;
	v3 =	vld [tilespmem:s18+$0x10]  }
0x2f: {  	s30 =	sand.u32 $0x1, s11;
	v2 =	vld [tilespmem:s18+$0xFFFFFFF0]  }
0x30: {  	s15 =	smul.u32 $0x8100, s30;
	s14 =	sshrl.u32 s14, $0x2;
	v0 =	vld [tilespmem:s18+$0x0]  }
0x31: {  	v1 =	vld [tilespmem:s18+$0xFFFFFFE0];
	s16 =	sor.u32 $0x4000, s14  }
0x32: {  	s31 =	sshrl.u32 s15, $0x2;
	s15 =	sadd.s32 $0x0, s16  }
0x33: {  	s17 =	simm.s32 $0x4;
	s18 =	sadd.s32 $0x40, s18;
	s14 =	sor.u32 $0x4000, s31;
	[tilespmem:s15+$0x1830 ss:$0x81] =	vst.msk $0xffff, v3  }
.LBB1_3:
0x34: {  	v3 =	vld [tilespmem:s18+$0x10];
	p1 =	sne.s32 s17, $0x1FC;
	[tilespmem:s15+$0x810 ss:$0x81] =	vst.msk $0xffff, v2;
	s19 =	smov.u32 s17;
	s17 =	sadd.s32 $0x4, s17  }
.Ltmp3:
0x35: {  	v2 =	vld [tilespmem:s18+$0xFFFFFFF0];
	[tilespmem:s15+$0x1020 ss:$0x81] =	vst.msk $0xffff, v0;
	(pc) =	sbr.rel @p1 .LBB1_3-.Ltmp3, $4  }
0x36: {  	v0 =	vld [tilespmem:s18+$0x0];
	[tilespmem:s15+$0x0 ss:$0x81] =	vst.msk $0xffff, v1  }
0x37: {  	s15 =	sshra.s32 s19, $0x2;
	v1 =	vld [tilespmem:s18+$0xFFFFFFE0]  }
0x38: {  	s15 =	sadd.s32 s15, s16  }
0x39: {  	s18 =	sadd.s32 $0x40, s18;
	[tilespmem:s15+$0x1830 ss:$0x81] =	vst.msk $0xffff, v3  }
.Ltmp4:
0x3a: {  	_ = 	snop;
	(pc) =	sbr.rel .LBB1_4-.Ltmp4, $1  }
0x3b: {  	_ =	sdelay $0x3  }
.LBB1_6:
0x3c: {  	_ =	sfence.sel $0x180000  }
0x3d: {  	s2 =	simm.s32 $0x1;
	[bflag:$0x0] =	sbarrier.arrive $0xFFFF  }
0x3e: {  	s31 =	simm.s32 $0x2;
	[sflag:s2] =	ssyncpa.u1 $0x1  }
0x3f: {  	[sflag:s31] =	ssyncpa.u1 $0x1  }
0x40: {  	p0 =	sne.s32 s0, $0x0;
	_ =	strace $0x9000004A  }
0x41: {  	s0 =	sadd.s32 @!p0 $0x100000, s1;
	[bflag:$0x2] =	sbarrier.arrive $0xFFFF  }
0x42: {  	[sflag:s0] =	ssyncadd.tile.s32 @!p0 $0x1;
	_ =	shalt  }
.Lfunc_end1:
_tile_overlayer_lowered:
.L_overlay_start_2:
0x43: {  	(tag) =	ssettag $0x2  }
0x44: {  	s0 =	rddreg [dreg:$0x0];
	s2 =	stileid.u32  }
0x45: {  	s1 =	rddreg [dreg:$0x1];
	p0 =	sne.s32 s2, $0x0  }
0x46: {  	s3 =	rddreg [dreg:$0x2];
	[bflag:$0x3] =	sbarrier.arrive $0xFFFF;
	s2 =	simm.s32 @!p0 $0x1C01  }
0x47: {  	[timem:s3], [sflag:s2] =	dma.local @!p0 [hbm:s0], s1  }
0x48: {  	s0 =	simm.s32 @!p0 $0x1  }
0x49: {  	_ =	swait.ge @!p0 [sflag:s0], s1  }
0x4a: {  	s1 =	ssub.s32 @!p0 $0x0, s1;
	[sflag:s0] =	ssyncset.done @!p0 $0x0  }
0x4b: {  	[sflag:s0] =	ssyncadd.s32 @!p0 s1  }
0x4c: {  	[bflag:$0x3] =	sbarrier.arrive $0xFFFF  }
0x4d: {  	_ =	shalt  }

</sc_bundles>
